<compile_context>
chip_gen: v7x
topology: tpu7x:2x2x1
jax: 0.10.2.dev20260603
libtpu: 0.0.44.dev20260713+nightly
codegen_flags: <defaults>
</compile_context>

<pallas_src>
import functools

import jax
import jax.numpy as jnp
from jax import lax
from jax.experimental import pallas as pl
from jax.experimental.pallas import tpu as pltpu
from jax.experimental.pallas import tpu_sc as plsc

N_NODES = 10000
N_EDGES = 320000
HIDDEN = 128
MIDDLE = 320
DICT = 512

NUM_CORES = 2
NUM_SUBCORES = 16
NUM_WORKERS = NUM_CORES * NUM_SUBCORES
BATCH = 80
BPC = 25
CHUNKS = N_EDGES // (NUM_WORKERS * BPC * BATCH)
STRIPE = 624
TAIL = N_NODES - NUM_SUBCORES * STRIPE


@functools.partial(
    pl.kernel,
    mesh=plsc.VectorSubcoreMesh(core_axis_name="c", subcore_axis_name="s"),
    out_type=jax.ShapeDtypeStruct((NUM_CORES, N_NODES, HIDDEN), jnp.float32),
    scratch_types=[
        pltpu.VMEM((BPC, BATCH), jnp.int32),
        pltpu.VMEM((BPC, BATCH), jnp.int32),
        pltpu.VMEM((BATCH, HIDDEN), jnp.float32),
        pltpu.VMEM((BATCH, HIDDEN), jnp.float32),
        pltpu.VMEM((BATCH, HIDDEN), jnp.float32),
        pltpu.VMEM((BATCH, HIDDEN), jnp.float32),
        pltpu.VMEM_SHARED((N_NODES, HIDDEN), jnp.float32),
        pltpu.SemaphoreType.DMA,
        pltpu.SemaphoreType.DMA,
        pltpu.SemaphoreType.DMA,
        pltpu.SemaphoreType.DMA,
        pltpu.SemaphoreType.DMA,
        pltpu.SemaphoreType.DMA,
        pltpu.SemaphoreType.DMA,
        pltpu.SemaphoreType.DMA,
        pltpu.SemaphoreType.DMA,
    ],
)
def _sc_agg(x_hbm, ei_hbm, zeros_hbm, out_hbm, src_v, dst_v,
            r0, r1, r2, r3, acc, g0, g1, g2, g3, s0, s1, s2, s3, stg):
    c = lax.axis_index("c")
    s = lax.axis_index("s")
    wid = s * NUM_CORES + c
    rows = (r0, r1, r2, r3)
    gsem = (g0, g1, g2, g3)
    ssem = (s0, s1, s2, s3)

    def _stage(k):
        pltpu.async_copy(ei_hbm.at[0, wid, k], src_v, stg)
        pltpu.async_copy(ei_hbm.at[1, wid, k], dst_v, stg)
        pltpu.make_async_copy(ei_hbm.at[0, wid, k], src_v, stg).wait()
        pltpu.make_async_copy(ei_hbm.at[1, wid, k], dst_v, stg).wait()

    pltpu.async_copy(ei_hbm.at[0, wid, 0], src_v, stg)
    pltpu.async_copy(ei_hbm.at[1, wid, 0], dst_v, stg)

    @pl.when(c == 0)
    def _init_x():
        pltpu.sync_copy(x_hbm.at[pl.ds(s * STRIPE, STRIPE)],
                        acc.at[pl.ds(s * STRIPE, STRIPE)])

        @pl.when(s == 0)
        def _tail():
            pltpu.sync_copy(x_hbm.at[pl.ds(NUM_SUBCORES * STRIPE, TAIL)],
                            acc.at[pl.ds(NUM_SUBCORES * STRIPE, TAIL)])

    @pl.when(c == 1)
    def _init_zero():
        pltpu.sync_copy(zeros_hbm, acc.at[pl.ds(s * STRIPE, STRIPE)])

        @pl.when(s == 0)
        def _tail():
            pltpu.sync_copy(zeros_hbm.at[pl.ds(0, TAIL)],
                            acc.at[pl.ds(NUM_SUBCORES * STRIPE, TAIL)])

    pltpu.make_async_copy(ei_hbm.at[0, wid, 0], src_v, stg).wait()
    pltpu.make_async_copy(ei_hbm.at[1, wid, 0], dst_v, stg).wait()
    for j in range(3):
        pltpu.async_copy(x_hbm.at[src_v.at[j]], rows[j], gsem[j])

    plsc.subcore_barrier()

    def _wait_gather(u):
        pltpu.make_async_copy(x_hbm.at[src_v.at[0]], rows[u], gsem[u]).wait()

    def _wait_scatter(u):
        pltpu.make_async_copy(rows[u], acc.at[dst_v.at[0]], ssem[u]).wait()

    def _step(j, issue_j):
        u = j % 4
        _wait_gather(u)
        pltpu.async_copy(rows[u], acc.at[dst_v.at[j]], ssem[u], add=True)
        if issue_j is not None:
            v = issue_j % 4
            if issue_j >= 4:
                _wait_scatter(v)
            pltpu.async_copy(x_hbm.at[src_v.at[issue_j]], rows[v], gsem[v])

    def _chunk(k, carry):
        def _quad(i, cc):
            j0 = 4 * i

            def _dyn_step(u):
                _wait_gather(u)
                pltpu.async_copy(rows[u], acc.at[dst_v.at[j0 + u]], ssem[u],
                                 add=True)
                v = (u + 3) % 4
                @pl.when(j0 + u >= 1)
                def _():
                    _wait_scatter(v)
                pltpu.async_copy(x_hbm.at[src_v.at[j0 + u + 3]], rows[v],
                                 gsem[v])

            for u in range(4):
                _dyn_step(u)
            return cc

        lax.fori_loop(0, (BPC - 5) // 4, _quad, 0)
        _step(BPC - 5, BPC - 2)
        _step(BPC - 4, BPC - 1)
        _step(BPC - 3, None)
        _step(BPC - 2, None)
        _step(BPC - 1, None)
        for u in range(4):
            _wait_scatter(u)

        @pl.when(k < CHUNKS - 1)
        def _next():
            _stage(k + 1)
            for j in range(3):
                pltpu.async_copy(x_hbm.at[src_v.at[j]], rows[j], gsem[j])

        return carry

    lax.fori_loop(0, CHUNKS, _chunk, 0)
    plsc.subcore_barrier()

    pltpu.sync_copy(
        acc.at[pl.ds(s * STRIPE, STRIPE)],
        out_hbm.at[c, pl.ds(s * STRIPE, STRIPE)],
    )

    @pl.when(s == 0)
    def _write_tail():
        pltpu.sync_copy(
            acc.at[pl.ds(NUM_SUBCORES * STRIPE, TAIL)],
            out_hbm.at[c, pl.ds(NUM_SUBCORES * STRIPE, TAIL)],
        )


def _fuse_body(tw_ref, tb_ref, pw_ref, pb_ref, w_ref, b_ref):
    w_ref[...] = jnp.dot(tw_ref[...], pw_ref[...],
                         preferred_element_type=jnp.float32)
    b_ref[...] = jnp.dot(tb_ref[...], pw_ref[...],
                         preferred_element_type=jnp.float32) + pb_ref[...]


def _fuse_weights(trn_w, trn_b, prd_w, prd_b):
    return pl.pallas_call(
        _fuse_body,
        out_shape=(
            jax.ShapeDtypeStruct((HIDDEN, DICT), jnp.float32),
            jax.ShapeDtypeStruct((1, DICT), jnp.float32),
        ),
    )(trn_w, trn_b, prd_w, prd_b)


def _mlp_body(a_ref, w_ref, b_ref, o_ref):
    h = a_ref[0] + a_ref[1]
    o_ref[...] = jnp.dot(h, w_ref[...],
                         preferred_element_type=jnp.float32) + b_ref[...]


ROW_BLOCK = 2000


def _tc_mlp(agg, w, b):
    return pl.pallas_call(
        _mlp_body,
        grid=(N_NODES // ROW_BLOCK,),
        in_specs=[
            pl.BlockSpec((NUM_CORES, ROW_BLOCK, HIDDEN), lambda i: (0, i, 0)),
            pl.BlockSpec((HIDDEN, DICT), lambda i: (0, 0)),
            pl.BlockSpec((1, DICT), lambda i: (0, 0)),
        ],
        out_specs=pl.BlockSpec((ROW_BLOCK, DICT), lambda i: (i, 0)),
        out_shape=jax.ShapeDtypeStruct((N_NODES, DICT), jnp.float32),
    )(agg, w, b)


def kernel(x, edge_index, trn_w, trn_b, prd_w, prd_b):
    ei = edge_index.astype(jnp.int32).reshape(2, NUM_WORKERS, CHUNKS, BPC, BATCH)
    zeros = jnp.zeros((STRIPE, HIDDEN), jnp.float32)
    w, b = _fuse_weights(trn_w, trn_b.reshape(1, MIDDLE), prd_w,
                         prd_b.reshape(1, DICT))
    agg = _sc_agg(x, ei, zeros)
    return _tc_mlp(agg, w, b)

# --- scband reference (transcript-rebuilt; emitter-appended) ---
"""Pipeline reference for scband-maegindecoder-17162689315601 (READ-ONLY COPY).

The authoritative reference and input builder live on the scoring server;
editing this copy changes nothing except your own understanding.
"""

import jax, jax.numpy as jnp
import numpy as np

N_NODES = 10000
N_EDGES = 320000
HIDDEN = 128
DICT = 512
MIDDLE = HIDDEN + (DICT - HIDDEN) // 2  # 320


def setup_inputs(seed: int = 0) -> dict:
    key = jax.random.key(seed)
    k_x, k_ei, k_tw, k_tb, k_pw, k_pb = jax.random.split(key, 6)
    x = jax.random.normal(k_x, (N_NODES, HIDDEN), dtype=jnp.float32)
    edge_index = jax.random.randint(k_ei, (2, N_EDGES), 0, N_NODES, dtype=jnp.int64)
    # Linear params (stored as [in, out] for y = x @ W + b)
    trn_w = jax.random.normal(k_tw, (HIDDEN, MIDDLE), dtype=jnp.float32) * (1.0 / np.sqrt(HIDDEN))
    trn_b = jax.random.normal(k_tb, (MIDDLE,), dtype=jnp.float32) * 0.01
    prd_w = jax.random.normal(k_pw, (MIDDLE, DICT), dtype=jnp.float32) * (1.0 / np.sqrt(MIDDLE))
    prd_b = jax.random.normal(k_pb, (DICT,), dtype=jnp.float32) * 0.01
    return {"x": x, "edge_index": edge_index, "trn_w": trn_w, "trn_b": trn_b, "prd_w": prd_w, "prd_b": prd_b}


def reference(x, edge_index, trn_w, trn_b, prd_w, prd_b):
    # GINConv with nn.Sequential(nn.Identity()), eps=0 (default, not trainable):
    #   h = (1 + eps) * x + sum_{j in N(i)} x_j
    src = edge_index[0]
    dst = edge_index[1]
    msgs = jnp.take(x, src, axis=0)                      # gather source node features
    agg = jax.ops.segment_sum(msgs, dst, num_segments=x.shape[0])  # scatter-add to dst
    h = x + agg                                          # (1 + 0) * x + aggregation; Identity() MLP
    h = h @ trn_w + trn_b                                # self.trn
    h = h @ prd_w + prd_b                                # self.prd
    return h

if __name__ == "__main__":
    import jax
    _d = setup_inputs()
    print(jax.jit(kernel)(*tuple(_d.values())))

</pallas_src>

<mosaic_0001>
#map = affine_map<(d0, d1) -> (0, 0)>
#map1 = affine_map<(d0, d1) -> (0, 0, 0, 0, 0)>
#map2 = affine_map<(d0, d1) -> (0, 0, 0)>
module attributes {stable_mosaic.version = 14 : i64} {
  func.func @_sc_agg(%arg0: i32, %arg1: i32, %arg2: memref<10000x128xf32, #tpu.memory_space<hbm>>, %arg3: memref<2x32x5x25x80xi32, #tpu.memory_space<hbm>>, %arg4: memref<624x128xf32, #tpu.memory_space<hbm>>, %arg5: memref<2x10000x128xf32, #tpu.memory_space<hbm>>, %arg6: memref<25x80xi32, #tpu.memory_space<vmem>>, %arg7: memref<25x80xi32, #tpu.memory_space<vmem>>, %arg8: memref<80x128xf32, #tpu.memory_space<vmem>>, %arg9: memref<80x128xf32, #tpu.memory_space<vmem>>, %arg10: memref<80x128xf32, #tpu.memory_space<vmem>>, %arg11: memref<80x128xf32, #tpu.memory_space<vmem>>, %arg12: memref<10000x128xf32, #tpu.memory_space<vmem_shared>>, %arg13: memref<!tpu.dma_semaphore, #tpu.memory_space<semaphore_mem>>, %arg14: memref<!tpu.dma_semaphore, #tpu.memory_space<semaphore_mem>>, %arg15: memref<!tpu.dma_semaphore, #tpu.memory_space<semaphore_mem>>, %arg16: memref<!tpu.dma_semaphore, #tpu.memory_space<semaphore_mem>>, %arg17: memref<!tpu.dma_semaphore, #tpu.memory_space<semaphore_mem>>, %arg18: memref<!tpu.dma_semaphore, #tpu.memory_space<semaphore_mem>>, %arg19: memref<!tpu.dma_semaphore, #tpu.memory_space<semaphore_mem>>, %arg20: memref<!tpu.dma_semaphore, #tpu.memory_space<semaphore_mem>>, %arg21: memref<!tpu.dma_semaphore, #tpu.memory_space<semaphore_mem>>) attributes {dimension_semantics = [#tpu.dimension_semantics<core_parallel>, #tpu.dimension_semantics<subcore_parallel>], iteration_bounds = array<i64: 2, 16>, scalar_prefetch = 0 : i64, scratch_operands = 16 : i64, tpu.core_type = #tpu.core_type<sc_vector_subcore>, window_params = [{transform_indices = #map}, {transform_indices = #map1}, {transform_indices = #map}, {transform_indices = #map2}]} {
    %mul3A = arith.constant 2 : i32
    %mul3A_0 = arith.muli %arg1, %mul3A : i32
    %add3A = arith.addi %mul3A_0, %arg0 : i32
    %dma_start3A = arith.constant 0 : i32
    %dma_start3A_1 = arith.constant 0 : i32
    %dma_start3A_2 = arith.constant 0 : i32
    %dma_start3A_3 = arith.constant 0 : i32
    %dma_start3A_4 = tpu.memref_slice %arg3[%dma_start3A, %add3A, %dma_start3A_1, %dma_start3A_2, %dma_start3A_3] : memref<2x32x5x25x80xi32, #tpu.memory_space<hbm>> -> memref<1x1x1x25x80xi32, #tpu.memory_space<hbm>>
    %dma_start3A_5 = tpu.memref_squeeze %dma_start3A_4 : memref<1x1x1x25x80xi32, #tpu.memory_space<hbm>> -> memref<25x80xi32, #tpu.memory_space<hbm>>
    %dma_start3A_6 = arith.constant 0 : i32
    %dma_start3A_7 = arith.constant 0 : i32
    %dma_start3A_8 = tpu.memref_slice %arg3[%dma_start3A, %add3A, %dma_start3A_1, %dma_start3A_6, %dma_start3A_7] : memref<2x32x5x25x80xi32, #tpu.memory_space<hbm>> -> memref<1x1x1x25x80xi32, #tpu.memory_space<hbm>>
    %dma_start3A_9 = tpu.memref_squeeze %dma_start3A_8 : memref<1x1x1x25x80xi32, #tpu.memory_space<hbm>> -> memref<25x80xi32, #tpu.memory_space<hbm>>
    tpu.enqueue_dma source(%dma_start3A_9 : memref<25x80xi32, #tpu.memory_space<hbm>>) target(%arg6 : memref<25x80xi32, #tpu.memory_space<vmem>>) target_semaphore(%arg21 : memref<!tpu.dma_semaphore, #tpu.memory_space<semaphore_mem>>)
    %dma_start3A_10 = arith.constant 1 : i32
    %dma_start3A_11 = arith.constant 0 : i32
    %dma_start3A_12 = arith.constant 0 : i32
    %dma_start3A_13 = arith.constant 0 : i32
    %dma_start3A_14 = tpu.memref_slice %arg3[%dma_start3A_10, %add3A, %dma_start3A_11, %dma_start3A_12, %dma_start3A_13] : memref<2x32x5x25x80xi32, #tpu.memory_space<hbm>> -> memref<1x1x1x25x80xi32, #tpu.memory_space<hbm>>
    %dma_start3A_15 = tpu.memref_squeeze %dma_start3A_14 : memref<1x1x1x25x80xi32, #tpu.memory_space<hbm>> -> memref<25x80xi32, #tpu.memory_space<hbm>>
    %dma_start3A_16 = arith.constant 0 : i32
    %dma_start3A_17 = arith.constant 0 : i32
    %dma_start3A_18 = tpu.memref_slice %arg3[%dma_start3A_10, %add3A, %dma_start3A_11, %dma_start3A_16, %dma_start3A_17] : memref<2x32x5x25x80xi32, #tpu.memory_space<hbm>> -> memref<1x1x1x25x80xi32, #tpu.memory_space<hbm>>
    %dma_start3A_19 = tpu.memref_squeeze %dma_start3A_18 : memref<1x1x1x25x80xi32, #tpu.memory_space<hbm>> -> memref<25x80xi32, #tpu.memory_space<hbm>>
    tpu.enqueue_dma source(%dma_start3A_19 : memref<25x80xi32, #tpu.memory_space<hbm>>) target(%arg7 : memref<25x80xi32, #tpu.memory_space<vmem>>) target_semaphore(%arg21 : memref<!tpu.dma_semaphore, #tpu.memory_space<semaphore_mem>>)
    %eq3A = arith.constant 0 : i32
    %eq3A_20 = arith.cmpi eq, %arg0, %eq3A : i32
    %convert_element_type3A = arith.extui %eq3A_20 : i1 to i32
    %cond3A = arith.constant 0 : i32
    %cond3A_21 = arith.cmpi ne, %convert_element_type3A, %cond3A : i32
    scf.if %cond3A_21 {
      %mul3A_82 = arith.constant 624 : i32
      %mul3A_83 = arith.muli %arg1, %mul3A_82 : i32
      %mul3A_84 = arith.constant 624 : i32
      %mul3A_85 = arith.muli %arg1, %mul3A_84 : i32
      "tpu.region"() ({
        %run_scoped3A = tpu.sem_alloc : memref<!tpu.dma_semaphore, #tpu.memory_space<semaphore_mem>>
        %dma_start3A_91 = arith.constant 0 : i32
        %dma_start3A_92 = tpu.memref_slice %arg12[%mul3A_85, %dma_start3A_91] : memref<10000x128xf32, #tpu.memory_space<vmem_shared>> -> memref<624x128xf32, #tpu.memory_space<vmem_shared>>
        %dma_start3A_93 = arith.constant 0 : i32
        %dma_start3A_94 = tpu.memref_slice %arg2[%mul3A_83, %dma_start3A_93] : memref<10000x128xf32, #tpu.memory_space<hbm>> -> memref<624x128xf32, #tpu.memory_space<hbm>>
        tpu.enqueue_dma source(%dma_start3A_94 : memref<624x128xf32, #tpu.memory_space<hbm>>) target(%dma_start3A_92 : memref<624x128xf32, #tpu.memory_space<vmem_shared>>) target_semaphore(%run_scoped3A : memref<!tpu.dma_semaphore, #tpu.memory_space<semaphore_mem>>)
        %dma_wait3A_95 = arith.constant 0 : i32
        %dma_wait3A_96 = tpu.memref_slice %arg12[%mul3A_85, %dma_wait3A_95] : memref<10000x128xf32, #tpu.memory_space<vmem_shared>> -> memref<624x128xf32, #tpu.memory_space<vmem_shared>>
        %dma_wait3A_97 = arith.constant 0 : i32
        %dma_wait3A_98 = tpu.memref_slice %arg2[%mul3A_83, %dma_wait3A_97] : memref<10000x128xf32, #tpu.memory_space<hbm>> -> memref<624x128xf32, #tpu.memory_space<hbm>>
        tpu.wait_dma2 semaphore(%run_scoped3A : memref<!tpu.dma_semaphore, #tpu.memory_space<semaphore_mem>>) src(%dma_wait3A_98 : memref<624x128xf32, #tpu.memory_space<hbm>>) dst(%dma_wait3A_96 : memref<624x128xf32, #tpu.memory_space<vmem_shared>>)
        tpu.yield
      }) : () -> ()
      %eq3A_86 = arith.constant 0 : i32
      %eq3A_87 = arith.cmpi eq, %arg1, %eq3A_86 : i32
      %convert_element_type3A_88 = arith.extui %eq3A_87 : i1 to i32
      %cond3A_89 = arith.constant 0 : i32
      %cond3A_90 = arith.cmpi ne, %convert_element_type3A_88, %cond3A_89 : i32
      scf.if %cond3A_90 {
        "tpu.region"() ({
          %run_scoped3A = tpu.sem_alloc : memref<!tpu.dma_semaphore, #tpu.memory_space<semaphore_mem>>
          %dma_start3A_91 = arith.constant 9984 : i32
          %dma_start3A_92 = arith.constant 0 : i32
          %dma_start3A_93 = tpu.memref_slice %arg12[%dma_start3A_91, %dma_start3A_92] : memref<10000x128xf32, #tpu.memory_space<vmem_shared>> -> memref<16x128xf32, #tpu.memory_space<vmem_shared>>
          %dma_start3A_94 = arith.constant 9984 : i32
          %dma_start3A_95 = arith.constant 0 : i32
          %dma_start3A_96 = tpu.memref_slice %arg2[%dma_start3A_94, %dma_start3A_95] : memref<10000x128xf32, #tpu.memory_space<hbm>> -> memref<16x128xf32, #tpu.memory_space<hbm>>
          tpu.enqueue_dma source(%dma_start3A_96 : memref<16x128xf32, #tpu.memory_space<hbm>>) target(%dma_start3A_93 : memref<16x128xf32, #tpu.memory_space<vmem_shared>>) target_semaphore(%run_scoped3A : memref<!tpu.dma_semaphore, #tpu.memory_space<semaphore_mem>>)
          %dma_wait3A_97 = arith.constant 9984 : i32
          %dma_wait3A_98 = arith.constant 0 : i32
          %dma_wait3A_99 = tpu.memref_slice %arg12[%dma_wait3A_97, %dma_wait3A_98] : memref<10000x128xf32, #tpu.memory_space<vmem_shared>> -> memref<16x128xf32, #tpu.memory_space<vmem_shared>>
          %dma_wait3A_100 = arith.constant 9984 : i32
          %dma_wait3A_101 = arith.constant 0 : i32
          %dma_wait3A_102 = tpu.memref_slice %arg2[%dma_wait3A_100, %dma_wait3A_101] : memref<10000x128xf32, #tpu.memory_space<hbm>> -> memref<16x128xf32, #tpu.memory_space<hbm>>
          tpu.wait_dma2 semaphore(%run_scoped3A : memref<!tpu.dma_semaphore, #tpu.memory_space<semaphore_mem>>) src(%dma_wait3A_102 : memref<16x128xf32, #tpu.memory_space<hbm>>) dst(%dma_wait3A_99 : memref<16x128xf32, #tpu.memory_space<vmem_shared>>)
          tpu.yield
        }) : () -> ()
      } else {
      }
    } else {
    }
    %eq3A_22 = arith.constant 1 : i32
    %eq3A_23 = arith.cmpi eq, %arg0, %eq3A_22 : i32
    %convert_element_type3A_24 = arith.extui %eq3A_23 : i1 to i32
    %cond3A_25 = arith.constant 0 : i32
    %cond3A_26 = arith.cmpi ne, %convert_element_type3A_24, %cond3A_25 : i32
    scf.if %cond3A_26 {
      %mul3A_82 = arith.constant 624 : i32
      %mul3A_83 = arith.muli %arg1, %mul3A_82 : i32
      "tpu.region"() ({
        %run_scoped3A = tpu.sem_alloc : memref<!tpu.dma_semaphore, #tpu.memory_space<semaphore_mem>>
        %dma_start3A_89 = arith.constant 0 : i32
        %dma_start3A_90 = tpu.memref_slice %arg12[%mul3A_83, %dma_start3A_89] : memref<10000x128xf32, #tpu.memory_space<vmem_shared>> -> memref<624x128xf32, #tpu.memory_space<vmem_shared>>
        tpu.enqueue_dma source(%arg4 : memref<624x128xf32, #tpu.memory_space<hbm>>) target(%dma_start3A_90 : memref<624x128xf32, #tpu.memory_space<vmem_shared>>) target_semaphore(%run_scoped3A : memref<!tpu.dma_semaphore, #tpu.memory_space<semaphore_mem>>)
        %dma_wait3A_91 = arith.constant 0 : i32
        %dma_wait3A_92 = tpu.memref_slice %arg12[%mul3A_83, %dma_wait3A_91] : memref<10000x128xf32, #tpu.memory_space<vmem_shared>> -> memref<624x128xf32, #tpu.memory_space<vmem_shared>>
        tpu.wait_dma2 semaphore(%run_scoped3A : memref<!tpu.dma_semaphore, #tpu.memory_space<semaphore_mem>>) src(%arg4 : memref<624x128xf32, #tpu.memory_space<hbm>>) dst(%dma_wait3A_92 : memref<624x128xf32, #tpu.memory_space<vmem_shared>>)
        tpu.yield
      }) : () -> ()
      %eq3A_84 = arith.constant 0 : i32
      %eq3A_85 = arith.cmpi eq, %arg1, %eq3A_84 : i32
      %convert_element_type3A_86 = arith.extui %eq3A_85 : i1 to i32
      %cond3A_87 = arith.constant 0 : i32
      %cond3A_88 = arith.cmpi ne, %convert_element_type3A_86, %cond3A_87 : i32
      scf.if %cond3A_88 {
        "tpu.region"() ({
          %run_scoped3A = tpu.sem_alloc : memref<!tpu.dma_semaphore, #tpu.memory_space<semaphore_mem>>
          %dma_start3A_89 = arith.constant 9984 : i32
          %dma_start3A_90 = arith.constant 0 : i32
          %dma_start3A_91 = tpu.memref_slice %arg12[%dma_start3A_89, %dma_start3A_90] : memref<10000x128xf32, #tpu.memory_space<vmem_shared>> -> memref<16x128xf32, #tpu.memory_space<vmem_shared>>
          %dma_start3A_92 = arith.constant 0 : i32
          %dma_start3A_93 = arith.constant 0 : i32
          %dma_start3A_94 = tpu.memref_slice %arg4[%dma_start3A_92, %dma_start3A_93] : memref<624x128xf32, #tpu.memory_space<hbm>> -> memref<16x128xf32, #tpu.memory_space<hbm>>
          tpu.enqueue_dma source(%dma_start3A_94 : memref<16x128xf32, #tpu.memory_space<hbm>>) target(%dma_start3A_91 : memref<16x128xf32, #tpu.memory_space<vmem_shared>>) target_semaphore(%run_scoped3A : memref<!tpu.dma_semaphore, #tpu.memory_space<semaphore_mem>>)
          %dma_wait3A_95 = arith.constant 9984 : i32
          %dma_wait3A_96 = arith.constant 0 : i32
          %dma_wait3A_97 = tpu.memref_slice %arg12[%dma_wait3A_95, %dma_wait3A_96] : memref<10000x128xf32, #tpu.memory_space<vmem_shared>> -> memref<16x128xf32, #tpu.memory_space<vmem_shared>>
          %dma_wait3A_98 = arith.constant 0 : i32
          %dma_wait3A_99 = arith.constant 0 : i32
          %dma_wait3A_100 = tpu.memref_slice %arg4[%dma_wait3A_98, %dma_wait3A_99] : memref<624x128xf32, #tpu.memory_space<hbm>> -> memref<16x128xf32, #tpu.memory_space<hbm>>
          tpu.wait_dma2 semaphore(%run_scoped3A : memref<!tpu.dma_semaphore, #tpu.memory_space<semaphore_mem>>) src(%dma_wait3A_100 : memref<16x128xf32, #tpu.memory_space<hbm>>) dst(%dma_wait3A_97 : memref<16x128xf32, #tpu.memory_space<vmem_shared>>)
          tpu.yield
        }) : () -> ()
      } else {
      }
    } else {
    }
    %dma_wait3A = arith.constant 0 : i32
    %dma_wait3A_27 = arith.constant 0 : i32
    %dma_wait3A_28 = arith.constant 0 : i32
    %dma_wait3A_29 = arith.constant 0 : i32
    %dma_wait3A_30 = tpu.memref_slice %arg3[%dma_wait3A, %add3A, %dma_wait3A_27, %dma_wait3A_28, %dma_wait3A_29] : memref<2x32x5x25x80xi32, #tpu.memory_space<hbm>> -> memref<1x1x1x25x80xi32, #tpu.memory_space<hbm>>
    %dma_wait3A_31 = tpu.memref_squeeze %dma_wait3A_30 : memref<1x1x1x25x80xi32, #tpu.memory_space<hbm>> -> memref<25x80xi32, #tpu.memory_space<hbm>>
    %dma_wait3A_32 = arith.constant 0 : i32
    %dma_wait3A_33 = arith.constant 0 : i32
    %dma_wait3A_34 = tpu.memref_slice %arg3[%dma_wait3A, %add3A, %dma_wait3A_27, %dma_wait3A_32, %dma_wait3A_33] : memref<2x32x5x25x80xi32, #tpu.memory_space<hbm>> -> memref<1x1x1x25x80xi32, #tpu.memory_space<hbm>>
    %dma_wait3A_35 = tpu.memref_squeeze %dma_wait3A_34 : memref<1x1x1x25x80xi32, #tpu.memory_space<hbm>> -> memref<25x80xi32, #tpu.memory_space<hbm>>
    tpu.wait_dma2 semaphore(%arg21 : memref<!tpu.dma_semaphore, #tpu.memory_space<semaphore_mem>>) src(%dma_wait3A_35 : memref<25x80xi32, #tpu.memory_space<hbm>>) dst(%arg6 : memref<25x80xi32, #tpu.memory_space<vmem>>)
    %dma_wait3A_36 = arith.constant 1 : i32
    %dma_wait3A_37 = arith.constant 0 : i32
    %dma_wait3A_38 = arith.constant 0 : i32
    %dma_wait3A_39 = arith.constant 0 : i32
    %dma_wait3A_40 = tpu.memref_slice %arg3[%dma_wait3A_36, %add3A, %dma_wait3A_37, %dma_wait3A_38, %dma_wait3A_39] : memref<2x32x5x25x80xi32, #tpu.memory_space<hbm>> -> memref<1x1x1x25x80xi32, #tpu.memory_space<hbm>>
    %dma_wait3A_41 = tpu.memref_squeeze %dma_wait3A_40 : memref<1x1x1x25x80xi32, #tpu.memory_space<hbm>> -> memref<25x80xi32, #tpu.memory_space<hbm>>
    %dma_wait3A_42 = arith.constant 0 : i32
    %dma_wait3A_43 = arith.constant 0 : i32
    %dma_wait3A_44 = tpu.memref_slice %arg3[%dma_wait3A_36, %add3A, %dma_wait3A_37, %dma_wait3A_42, %dma_wait3A_43] : memref<2x32x5x25x80xi32, #tpu.memory_space<hbm>> -> memref<1x1x1x25x80xi32, #tpu.memory_space<hbm>>
    %dma_wait3A_45 = tpu.memref_squeeze %dma_wait3A_44 : memref<1x1x1x25x80xi32, #tpu.memory_space<hbm>> -> memref<25x80xi32, #tpu.memory_space<hbm>>
    tpu.wait_dma2 semaphore(%arg21 : memref<!tpu.dma_semaphore, #tpu.memory_space<semaphore_mem>>) src(%dma_wait3A_45 : memref<25x80xi32, #tpu.memory_space<hbm>>) dst(%arg7 : memref<25x80xi32, #tpu.memory_space<vmem>>)
    %dma_start3A_46 = arith.constant 0 : i32
    %dma_start3A_47 = arith.constant 0 : i32
    %dma_start3A_48 = tpu.memref_slice %arg6[%dma_start3A_46, %dma_start3A_47] : memref<25x80xi32, #tpu.memory_space<vmem>> -> memref<1x80xi32, #tpu.memory_space<vmem>>
    %dma_start3A_49 = tpu.memref_squeeze %dma_start3A_48 : memref<1x80xi32, #tpu.memory_space<vmem>> -> memref<80xi32, #tpu.memory_space<vmem>>
    %dma_start3A_50 = arith.constant 0 : i32
    %dma_start3A_51 = arith.constant 0 : i32
    %dma_start3A_52 = tpu.memref_slice %arg2[%dma_start3A_50, %dma_start3A_51] : memref<10000x128xf32, #tpu.memory_space<hbm>> -> memref<10000x128xf32, #tpu.memory_space<hbm>>
    tpu.enqueue_indirect_dma source(%dma_start3A_52 : memref<10000x128xf32, #tpu.memory_space<hbm>>) target(%arg8 : memref<80x128xf32, #tpu.memory_space<vmem>>) offsets(%dma_start3A_49 : memref<80xi32, #tpu.memory_space<vmem>>) semaphore(%arg13 : memref<!tpu.dma_semaphore, #tpu.memory_space<semaphore_mem>>)
    %dma_start3A_53 = arith.constant 1 : i32
    %dma_start3A_54 = arith.constant 0 : i32
    %dma_start3A_55 = tpu.memref_slice %arg6[%dma_start3A_53, %dma_start3A_54] : memref<25x80xi32, #tpu.memory_space<vmem>> -> memref<1x80xi32, #tpu.memory_space<vmem>>
    %dma_start3A_56 = tpu.memref_squeeze %dma_start3A_55 : memref<1x80xi32, #tpu.memory_space<vmem>> -> memref<80xi32, #tpu.memory_space<vmem>>
    %dma_start3A_57 = arith.constant 0 : i32
    %dma_start3A_58 = arith.constant 0 : i32
    %dma_start3A_59 = tpu.memref_slice %arg2[%dma_start3A_57, %dma_start3A_58] : memref<10000x128xf32, #tpu.memory_space<hbm>> -> memref<10000x128xf32, #tpu.memory_space<hbm>>
    tpu.enqueue_indirect_dma source(%dma_start3A_59 : memref<10000x128xf32, #tpu.memory_space<hbm>>) target(%arg9 : memref<80x128xf32, #tpu.memory_space<vmem>>) offsets(%dma_start3A_56 : memref<80xi32, #tpu.memory_space<vmem>>) semaphore(%arg14 : memref<!tpu.dma_semaphore, #tpu.memory_space<semaphore_mem>>)
    %dma_start3A_60 = arith.constant 2 : i32
    %dma_start3A_61 = arith.constant 0 : i32
    %dma_start3A_62 = tpu.memref_slice %arg6[%dma_start3A_60, %dma_start3A_61] : memref<25x80xi32, #tpu.memory_space<vmem>> -> memref<1x80xi32, #tpu.memory_space<vmem>>
    %dma_start3A_63 = tpu.memref_squeeze %dma_start3A_62 : memref<1x80xi32, #tpu.memory_space<vmem>> -> memref<80xi32, #tpu.memory_space<vmem>>
    %dma_start3A_64 = arith.constant 0 : i32
    %dma_start3A_65 = arith.constant 0 : i32
    %dma_start3A_66 = tpu.memref_slice %arg2[%dma_start3A_64, %dma_start3A_65] : memref<10000x128xf32, #tpu.memory_space<hbm>> -> memref<10000x128xf32, #tpu.memory_space<hbm>>
    tpu.enqueue_indirect_dma source(%dma_start3A_66 : memref<10000x128xf32, #tpu.memory_space<hbm>>) target(%arg10 : memref<80x128xf32, #tpu.memory_space<vmem>>) offsets(%dma_start3A_63 : memref<80xi32, #tpu.memory_space<vmem>>) semaphore(%arg15 : memref<!tpu.dma_semaphore, #tpu.memory_space<semaphore_mem>>)
    %barrier3A = arith.constant 0 : index
    tpu.barrier barrier_id(%barrier3A)
    %scan3A = arith.constant 0 : i32
    %scan3A_67 = arith.constant 0 : i32
    %scan3A_68 = arith.constant 5 : i32
    %scan3A_69 = arith.addi %scan3A_67, %scan3A_68 : i32
    %scan3A_70 = arith.constant 1 : i32
    scf.for %scan3A_82 = %scan3A_67 to %scan3A_69 step %scan3A_70  : i32 {
      %scan3A_83 = arith.constant 0 : i32
      %scan3A_84 = arith.constant 0 : i32
      %scan3A_85 = arith.constant 5 : i32
      %scan3A_86 = arith.addi %scan3A_84, %scan3A_85 : i32
      %scan3A_87 = arith.constant 1 : i32
      scf.for %scan3A_219 = %scan3A_84 to %scan3A_86 step %scan3A_87  : i32 {
        %mul3A_220 = arith.constant 4 : i32
        %mul3A_221 = arith.muli %mul3A_220, %scan3A_219 : i32
        %dma_wait3A_222 = arith.constant 0 : i32
        %dma_wait3A_223 = arith.constant 0 : i32
        %dma_wait3A_224 = tpu.memref_slice %arg6[%dma_wait3A_222, %dma_wait3A_223] : memref<25x80xi32, #tpu.memory_space<vmem>> -> memref<1x80xi32, #tpu.memory_space<vmem>>
        %dma_wait3A_225 = tpu.memref_squeeze %dma_wait3A_224 : memref<1x80xi32, #tpu.memory_space<vmem>> -> memref<80xi32, #tpu.memory_space<vmem>>
        %dma_wait3A_226 = arith.constant 0 : i32
        %dma_wait3A_227 = arith.constant 0 : i32
        %dma_wait3A_228 = tpu.memref_slice %arg2[%dma_wait3A_226, %dma_wait3A_227] : memref<10000x128xf32, #tpu.memory_space<hbm>> -> memref<10000x128xf32, #tpu.memory_space<hbm>>
        tpu.wait_indirect_dma semaphore(%arg13 : memref<!tpu.dma_semaphore, #tpu.memory_space<semaphore_mem>>) src(%dma_wait3A_228 : memref<10000x128xf32, #tpu.memory_space<hbm>>) dst(%arg8 : memref<80x128xf32, #tpu.memory_space<vmem>>)
        %add3A_229 = arith.constant 0 : i32
        %add3A_230 = arith.addi %mul3A_221, %add3A_229 : i32
        %dma_start3A_231 = arith.constant 0 : i32
        %dma_start3A_232 = tpu.memref_slice %arg7[%add3A_230, %dma_start3A_231] : memref<25x80xi32, #tpu.memory_space<vmem>> -> memref<1x80xi32, #tpu.memory_space<vmem>>
        %dma_start3A_233 = tpu.memref_squeeze %dma_start3A_232 : memref<1x80xi32, #tpu.memory_space<vmem>> -> memref<80xi32, #tpu.memory_space<vmem>>
        %dma_start3A_234 = arith.constant 0 : i32
        %dma_start3A_235 = arith.constant 0 : i32
        %dma_start3A_236 = tpu.memref_slice %arg12[%dma_start3A_234, %dma_start3A_235] : memref<10000x128xf32, #tpu.memory_space<vmem_shared>> -> memref<10000x128xf32, #tpu.memory_space<vmem_shared>>
        tpu.enqueue_indirect_dma source(%arg8 : memref<80x128xf32, #tpu.memory_space<vmem>>) target(%dma_start3A_236 : memref<10000x128xf32, #tpu.memory_space<vmem_shared>>) offsets(%dma_start3A_233 : memref<80xi32, #tpu.memory_space<vmem>>) semaphore(%arg17 : memref<!tpu.dma_semaphore, #tpu.memory_space<semaphore_mem>>) {add = true}
        %add3A_237 = arith.constant 0 : i32
        %add3A_238 = arith.addi %mul3A_221, %add3A_237 : i32
        %ge3A = arith.constant 1 : i32
        %ge3A_239 = arith.cmpi sge, %add3A_238, %ge3A : i32
        %convert_element_type3A_240 = arith.extui %ge3A_239 : i1 to i32
        %cond3A_241 = arith.constant 0 : i32
        %cond3A_242 = arith.cmpi ne, %convert_element_type3A_240, %cond3A_241 : i32
        scf.if %cond3A_242 {
          %dma_wait3A_349 = arith.constant 0 : i32
          %dma_wait3A_350 = arith.constant 0 : i32
          %dma_wait3A_351 = tpu.memref_slice %arg7[%dma_wait3A_349, %dma_wait3A_350] : memref<25x80xi32, #tpu.memory_space<vmem>> -> memref<1x80xi32, #tpu.memory_space<vmem>>
          %dma_wait3A_352 = tpu.memref_squeeze %dma_wait3A_351 : memref<1x80xi32, #tpu.memory_space<vmem>> -> memref<80xi32, #tpu.memory_space<vmem>>
          %dma_wait3A_353 = arith.constant 0 : i32
          %dma_wait3A_354 = arith.constant 0 : i32
          %dma_wait3A_355 = tpu.memref_slice %arg12[%dma_wait3A_353, %dma_wait3A_354] : memref<10000x128xf32, #tpu.memory_space<vmem_shared>> -> memref<10000x128xf32, #tpu.memory_space<vmem_shared>>
          tpu.wait_indirect_dma semaphore(%arg20 : memref<!tpu.dma_semaphore, #tpu.memory_space<semaphore_mem>>) src(%arg11 : memref<80x128xf32, #tpu.memory_space<vmem>>) dst(%dma_wait3A_355 : memref<10000x128xf32, #tpu.memory_space<vmem_shared>>)
        } else {
        }
        %add3A_243 = arith.constant 0 : i32
        %add3A_244 = arith.addi %mul3A_221, %add3A_243 : i32
        %add3A_245 = arith.constant 3 : i32
        %add3A_246 = arith.addi %add3A_244, %add3A_245 : i32
        %dma_start3A_247 = arith.constant 0 : i32
        %dma_start3A_248 = tpu.memref_slice %arg6[%add3A_246, %dma_start3A_247] : memref<25x80xi32, #tpu.memory_space<vmem>> -> memref<1x80xi32, #tpu.memory_space<vmem>>
        %dma_start3A_249 = tpu.memref_squeeze %dma_start3A_248 : memref<1x80xi32, #tpu.memory_space<vmem>> -> memref<80xi32, #tpu.memory_space<vmem>>
        %dma_start3A_250 = arith.constant 0 : i32
        %dma_start3A_251 = arith.constant 0 : i32
        %dma_start3A_252 = tpu.memref_slice %arg2[%dma_start3A_250, %dma_start3A_251] : memref<10000x128xf32, #tpu.memory_space<hbm>> -> memref<10000x128xf32, #tpu.memory_space<hbm>>
        tpu.enqueue_indirect_dma source(%dma_start3A_252 : memref<10000x128xf32, #tpu.memory_space<hbm>>) target(%arg11 : memref<80x128xf32, #tpu.memory_space<vmem>>) offsets(%dma_start3A_249 : memref<80xi32, #tpu.memory_space<vmem>>) semaphore(%arg16 : memref<!tpu.dma_semaphore, #tpu.memory_space<semaphore_mem>>)
        %dma_wait3A_253 = arith.constant 0 : i32
        %dma_wait3A_254 = arith.constant 0 : i32
        %dma_wait3A_255 = tpu.memref_slice %arg6[%dma_wait3A_253, %dma_wait3A_254] : memref<25x80xi32, #tpu.memory_space<vmem>> -> memref<1x80xi32, #tpu.memory_space<vmem>>
        %dma_wait3A_256 = tpu.memref_squeeze %dma_wait3A_255 : memref<1x80xi32, #tpu.memory_space<vmem>> -> memref<80xi32, #tpu.memory_space<vmem>>
        %dma_wait3A_257 = arith.constant 0 : i32
        %dma_wait3A_258 = arith.constant 0 : i32
        %dma_wait3A_259 = tpu.memref_slice %arg2[%dma_wait3A_257, %dma_wait3A_258] : memref<10000x128xf32, #tpu.memory_space<hbm>> -> memref<10000x128xf32, #tpu.memory_space<hbm>>
        tpu.wait_indirect_dma semaphore(%arg14 : memref<!tpu.dma_semaphore, #tpu.memory_space<semaphore_mem>>) src(%dma_wait3A_259 : memref<10000x128xf32, #tpu.memory_space<hbm>>) dst(%arg9 : memref<80x128xf32, #tpu.memory_space<vmem>>)
        %add3A_260 = arith.constant 1 : i32
        %add3A_261 = arith.addi %mul3A_221, %add3A_260 : i32
        %dma_start3A_262 = arith.constant 0 : i32
        %dma_start3A_263 = tpu.memref_slice %arg7[%add3A_261, %dma_start3A_262] : memref<25x80xi32, #tpu.memory_space<vmem>> -> memref<1x80xi32, #tpu.memory_space<vmem>>
        %dma_start3A_264 = tpu.memref_squeeze %dma_start3A_263 : memref<1x80xi32, #tpu.memory_space<vmem>> -> memref<80xi32, #tpu.memory_space<vmem>>
        %dma_start3A_265 = arith.constant 0 : i32
        %dma_start3A_266 = arith.constant 0 : i32
        %dma_start3A_267 = tpu.memref_slice %arg12[%dma_start3A_265, %dma_start3A_266] : memref<10000x128xf32, #tpu.memory_space<vmem_shared>> -> memref<10000x128xf32, #tpu.memory_space<vmem_shared>>
        tpu.enqueue_indirect_dma source(%arg9 : memref<80x128xf32, #tpu.memory_space<vmem>>) target(%dma_start3A_267 : memref<10000x128xf32, #tpu.memory_space<vmem_shared>>) offsets(%dma_start3A_264 : memref<80xi32, #tpu.memory_space<vmem>>) semaphore(%arg18 : memref<!tpu.dma_semaphore, #tpu.memory_space<semaphore_mem>>) {add = true}
        %add3A_268 = arith.constant 1 : i32
        %add3A_269 = arith.addi %mul3A_221, %add3A_268 : i32
        %ge3A_270 = arith.constant 1 : i32
        %ge3A_271 = arith.cmpi sge, %add3A_269, %ge3A_270 : i32
        %convert_element_type3A_272 = arith.extui %ge3A_271 : i1 to i32
        %cond3A_273 = arith.constant 0 : i32
        %cond3A_274 = arith.cmpi ne, %convert_element_type3A_272, %cond3A_273 : i32
        scf.if %cond3A_274 {
          %dma_wait3A_349 = arith.constant 0 : i32
          %dma_wait3A_350 = arith.constant 0 : i32
          %dma_wait3A_351 = tpu.memref_slice %arg7[%dma_wait3A_349, %dma_wait3A_350] : memref<25x80xi32, #tpu.memory_space<vmem>> -> memref<1x80xi32, #tpu.memory_space<vmem>>
          %dma_wait3A_352 = tpu.memref_squeeze %dma_wait3A_351 : memref<1x80xi32, #tpu.memory_space<vmem>> -> memref<80xi32, #tpu.memory_space<vmem>>
          %dma_wait3A_353 = arith.constant 0 : i32
          %dma_wait3A_354 = arith.constant 0 : i32
          %dma_wait3A_355 = tpu.memref_slice %arg12[%dma_wait3A_353, %dma_wait3A_354] : memref<10000x128xf32, #tpu.memory_space<vmem_shared>> -> memref<10000x128xf32, #tpu.memory_space<vmem_shared>>
          tpu.wait_indirect_dma semaphore(%arg17 : memref<!tpu.dma_semaphore, #tpu.memory_space<semaphore_mem>>) src(%arg8 : memref<80x128xf32, #tpu.memory_space<vmem>>) dst(%dma_wait3A_355 : memref<10000x128xf32, #tpu.memory_space<vmem_shared>>)
        } else {
        }
        %add3A_275 = arith.constant 1 : i32
        %add3A_276 = arith.addi %mul3A_221, %add3A_275 : i32
        %add3A_277 = arith.constant 3 : i32
        %add3A_278 = arith.addi %add3A_276, %add3A_277 : i32
        %dma_start3A_279 = arith.constant 0 : i32
        %dma_start3A_280 = tpu.memref_slice %arg6[%add3A_278, %dma_start3A_279] : memref<25x80xi32, #tpu.memory_space<vmem>> -> memref<1x80xi32, #tpu.memory_space<vmem>>
        %dma_start3A_281 = tpu.memref_squeeze %dma_start3A_280 : memref<1x80xi32, #tpu.memory_space<vmem>> -> memref<80xi32, #tpu.memory_space<vmem>>
        %dma_start3A_282 = arith.constant 0 : i32
        %dma_start3A_283 = arith.constant 0 : i32
        %dma_start3A_284 = tpu.memref_slice %arg2[%dma_start3A_282, %dma_start3A_283] : memref<10000x128xf32, #tpu.memory_space<hbm>> -> memref<10000x128xf32, #tpu.memory_space<hbm>>
        tpu.enqueue_indirect_dma source(%dma_start3A_284 : memref<10000x128xf32, #tpu.memory_space<hbm>>) target(%arg8 : memref<80x128xf32, #tpu.memory_space<vmem>>) offsets(%dma_start3A_281 : memref<80xi32, #tpu.memory_space<vmem>>) semaphore(%arg13 : memref<!tpu.dma_semaphore, #tpu.memory_space<semaphore_mem>>)
        %dma_wait3A_285 = arith.constant 0 : i32
        %dma_wait3A_286 = arith.constant 0 : i32
        %dma_wait3A_287 = tpu.memref_slice %arg6[%dma_wait3A_285, %dma_wait3A_286] : memref<25x80xi32, #tpu.memory_space<vmem>> -> memref<1x80xi32, #tpu.memory_space<vmem>>
        %dma_wait3A_288 = tpu.memref_squeeze %dma_wait3A_287 : memref<1x80xi32, #tpu.memory_space<vmem>> -> memref<80xi32, #tpu.memory_space<vmem>>
        %dma_wait3A_289 = arith.constant 0 : i32
        %dma_wait3A_290 = arith.constant 0 : i32
        %dma_wait3A_291 = tpu.memref_slice %arg2[%dma_wait3A_289, %dma_wait3A_290] : memref<10000x128xf32, #tpu.memory_space<hbm>> -> memref<10000x128xf32, #tpu.memory_space<hbm>>
        tpu.wait_indirect_dma semaphore(%arg15 : memref<!tpu.dma_semaphore, #tpu.memory_space<semaphore_mem>>) src(%dma_wait3A_291 : memref<10000x128xf32, #tpu.memory_space<hbm>>) dst(%arg10 : memref<80x128xf32, #tpu.memory_space<vmem>>)
        %add3A_292 = arith.constant 2 : i32
        %add3A_293 = arith.addi %mul3A_221, %add3A_292 : i32
        %dma_start3A_294 = arith.constant 0 : i32
        %dma_start3A_295 = tpu.memref_slice %arg7[%add3A_293, %dma_start3A_294] : memref<25x80xi32, #tpu.memory_space<vmem>> -> memref<1x80xi32, #tpu.memory_space<vmem>>
        %dma_start3A_296 = tpu.memref_squeeze %dma_start3A_295 : memref<1x80xi32, #tpu.memory_space<vmem>> -> memref<80xi32, #tpu.memory_space<vmem>>
        %dma_start3A_297 = arith.constant 0 : i32
        %dma_start3A_298 = arith.constant 0 : i32
        %dma_start3A_299 = tpu.memref_slice %arg12[%dma_start3A_297, %dma_start3A_298] : memref<10000x128xf32, #tpu.memory_space<vmem_shared>> -> memref<10000x128xf32, #tpu.memory_space<vmem_shared>>
        tpu.enqueue_indirect_dma source(%arg10 : memref<80x128xf32, #tpu.memory_space<vmem>>) target(%dma_start3A_299 : memref<10000x128xf32, #tpu.memory_space<vmem_shared>>) offsets(%dma_start3A_296 : memref<80xi32, #tpu.memory_space<vmem>>) semaphore(%arg19 : memref<!tpu.dma_semaphore, #tpu.memory_space<semaphore_mem>>) {add = true}
        %add3A_300 = arith.constant 2 : i32
        %add3A_301 = arith.addi %mul3A_221, %add3A_300 : i32
        %ge3A_302 = arith.constant 1 : i32
        %ge3A_303 = arith.cmpi sge, %add3A_301, %ge3A_302 : i32
        %convert_element_type3A_304 = arith.extui %ge3A_303 : i1 to i32
        %cond3A_305 = arith.constant 0 : i32
        %cond3A_306 = arith.cmpi ne, %convert_element_type3A_304, %cond3A_305 : i32
        scf.if %cond3A_306 {
          %dma_wait3A_349 = arith.constant 0 : i32
          %dma_wait3A_350 = arith.constant 0 : i32
          %dma_wait3A_351 = tpu.memref_slice %arg7[%dma_wait3A_349, %dma_wait3A_350] : memref<25x80xi32, #tpu.memory_space<vmem>> -> memref<1x80xi32, #tpu.memory_space<vmem>>
          %dma_wait3A_352 = tpu.memref_squeeze %dma_wait3A_351 : memref<1x80xi32, #tpu.memory_space<vmem>> -> memref<80xi32, #tpu.memory_space<vmem>>
          %dma_wait3A_353 = arith.constant 0 : i32
          %dma_wait3A_354 = arith.constant 0 : i32
          %dma_wait3A_355 = tpu.memref_slice %arg12[%dma_wait3A_353, %dma_wait3A_354] : memref<10000x128xf32, #tpu.memory_space<vmem_shared>> -> memref<10000x128xf32, #tpu.memory_space<vmem_shared>>
          tpu.wait_indirect_dma semaphore(%arg18 : memref<!tpu.dma_semaphore, #tpu.memory_space<semaphore_mem>>) src(%arg9 : memref<80x128xf32, #tpu.memory_space<vmem>>) dst(%dma_wait3A_355 : memref<10000x128xf32, #tpu.memory_space<vmem_shared>>)
        } else {
        }
        %add3A_307 = arith.constant 2 : i32
        %add3A_308 = arith.addi %mul3A_221, %add3A_307 : i32
        %add3A_309 = arith.constant 3 : i32
        %add3A_310 = arith.addi %add3A_308, %add3A_309 : i32
        %dma_start3A_311 = arith.constant 0 : i32
        %dma_start3A_312 = tpu.memref_slice %arg6[%add3A_310, %dma_start3A_311] : memref<25x80xi32, #tpu.memory_space<vmem>> -> memref<1x80xi32, #tpu.memory_space<vmem>>
        %dma_start3A_313 = tpu.memref_squeeze %dma_start3A_312 : memref<1x80xi32, #tpu.memory_space<vmem>> -> memref<80xi32, #tpu.memory_space<vmem>>
        %dma_start3A_314 = arith.constant 0 : i32
        %dma_start3A_315 = arith.constant 0 : i32
        %dma_start3A_316 = tpu.memref_slice %arg2[%dma_start3A_314, %dma_start3A_315] : memref<10000x128xf32, #tpu.memory_space<hbm>> -> memref<10000x128xf32, #tpu.memory_space<hbm>>
        tpu.enqueue_indirect_dma source(%dma_start3A_316 : memref<10000x128xf32, #tpu.memory_space<hbm>>) target(%arg9 : memref<80x128xf32, #tpu.memory_space<vmem>>) offsets(%dma_start3A_313 : memref<80xi32, #tpu.memory_space<vmem>>) semaphore(%arg14 : memref<!tpu.dma_semaphore, #tpu.memory_space<semaphore_mem>>)
        %dma_wait3A_317 = arith.constant 0 : i32
        %dma_wait3A_318 = arith.constant 0 : i32
        %dma_wait3A_319 = tpu.memref_slice %arg6[%dma_wait3A_317, %dma_wait3A_318] : memref<25x80xi32, #tpu.memory_space<vmem>> -> memref<1x80xi32, #tpu.memory_space<vmem>>
        %dma_wait3A_320 = tpu.memref_squeeze %dma_wait3A_319 : memref<1x80xi32, #tpu.memory_space<vmem>> -> memref<80xi32, #tpu.memory_space<vmem>>
        %dma_wait3A_321 = arith.constant 0 : i32
        %dma_wait3A_322 = arith.constant 0 : i32
        %dma_wait3A_323 = tpu.memref_slice %arg2[%dma_wait3A_321, %dma_wait3A_322] : memref<10000x128xf32, #tpu.memory_space<hbm>> -> memref<10000x128xf32, #tpu.memory_space<hbm>>
        tpu.wait_indirect_dma semaphore(%arg16 : memref<!tpu.dma_semaphore, #tpu.memory_space<semaphore_mem>>) src(%dma_wait3A_323 : memref<10000x128xf32, #tpu.memory_space<hbm>>) dst(%arg11 : memref<80x128xf32, #tpu.memory_space<vmem>>)
        %add3A_324 = arith.constant 3 : i32
        %add3A_325 = arith.addi %mul3A_221, %add3A_324 : i32
        %dma_start3A_326 = arith.constant 0 : i32
        %dma_start3A_327 = tpu.memref_slice %arg7[%add3A_325, %dma_start3A_326] : memref<25x80xi32, #tpu.memory_space<vmem>> -> memref<1x80xi32, #tpu.memory_space<vmem>>
        %dma_start3A_328 = tpu.memref_squeeze %dma_start3A_327 : memref<1x80xi32, #tpu.memory_space<vmem>> -> memref<80xi32, #tpu.memory_space<vmem>>
        %dma_start3A_329 = arith.constant 0 : i32
        %dma_start3A_330 = arith.constant 0 : i32
        %dma_start3A_331 = tpu.memref_slice %arg12[%dma_start3A_329, %dma_start3A_330] : memref<10000x128xf32, #tpu.memory_space<vmem_shared>> -> memref<10000x128xf32, #tpu.memory_space<vmem_shared>>
        tpu.enqueue_indirect_dma source(%arg11 : memref<80x128xf32, #tpu.memory_space<vmem>>) target(%dma_start3A_331 : memref<10000x128xf32, #tpu.memory_space<vmem_shared>>) offsets(%dma_start3A_328 : memref<80xi32, #tpu.memory_space<vmem>>) semaphore(%arg20 : memref<!tpu.dma_semaphore, #tpu.memory_space<semaphore_mem>>) {add = true}
        %add3A_332 = arith.constant 3 : i32
        %add3A_333 = arith.addi %mul3A_221, %add3A_332 : i32
        %ge3A_334 = arith.constant 1 : i32
        %ge3A_335 = arith.cmpi sge, %add3A_333, %ge3A_334 : i32
        %convert_element_type3A_336 = arith.extui %ge3A_335 : i1 to i32
        %cond3A_337 = arith.constant 0 : i32
        %cond3A_338 = arith.cmpi ne, %convert_element_type3A_336, %cond3A_337 : i32
        scf.if %cond3A_338 {
          %dma_wait3A_349 = arith.constant 0 : i32
          %dma_wait3A_350 = arith.constant 0 : i32
          %dma_wait3A_351 = tpu.memref_slice %arg7[%dma_wait3A_349, %dma_wait3A_350] : memref<25x80xi32, #tpu.memory_space<vmem>> -> memref<1x80xi32, #tpu.memory_space<vmem>>
          %dma_wait3A_352 = tpu.memref_squeeze %dma_wait3A_351 : memref<1x80xi32, #tpu.memory_space<vmem>> -> memref<80xi32, #tpu.memory_space<vmem>>
          %dma_wait3A_353 = arith.constant 0 : i32
          %dma_wait3A_354 = arith.constant 0 : i32
          %dma_wait3A_355 = tpu.memref_slice %arg12[%dma_wait3A_353, %dma_wait3A_354] : memref<10000x128xf32, #tpu.memory_space<vmem_shared>> -> memref<10000x128xf32, #tpu.memory_space<vmem_shared>>
          tpu.wait_indirect_dma semaphore(%arg19 : memref<!tpu.dma_semaphore, #tpu.memory_space<semaphore_mem>>) src(%arg10 : memref<80x128xf32, #tpu.memory_space<vmem>>) dst(%dma_wait3A_355 : memref<10000x128xf32, #tpu.memory_space<vmem_shared>>)
        } else {
        }
        %add3A_339 = arith.constant 3 : i32
        %add3A_340 = arith.addi %mul3A_221, %add3A_339 : i32
        %add3A_341 = arith.constant 3 : i32
        %add3A_342 = arith.addi %add3A_340, %add3A_341 : i32
        %dma_start3A_343 = arith.constant 0 : i32
        %dma_start3A_344 = tpu.memref_slice %arg6[%add3A_342, %dma_start3A_343] : memref<25x80xi32, #tpu.memory_space<vmem>> -> memref<1x80xi32, #tpu.memory_space<vmem>>
        %dma_start3A_345 = tpu.memref_squeeze %dma_start3A_344 : memref<1x80xi32, #tpu.memory_space<vmem>> -> memref<80xi32, #tpu.memory_space<vmem>>
        %dma_start3A_346 = arith.constant 0 : i32
        %dma_start3A_347 = arith.constant 0 : i32
        %dma_start3A_348 = tpu.memref_slice %arg2[%dma_start3A_346, %dma_start3A_347] : memref<10000x128xf32, #tpu.memory_space<hbm>> -> memref<10000x128xf32, #tpu.memory_space<hbm>>
        tpu.enqueue_indirect_dma source(%dma_start3A_348 : memref<10000x128xf32, #tpu.memory_space<hbm>>) target(%arg10 : memref<80x128xf32, #tpu.memory_space<vmem>>) offsets(%dma_start3A_345 : memref<80xi32, #tpu.memory_space<vmem>>) semaphore(%arg15 : memref<!tpu.dma_semaphore, #tpu.memory_space<semaphore_mem>>)
      }
      %scan3A_88 = arith.constant 5 : i32
      %dma_wait3A_89 = arith.constant 0 : i32
      %dma_wait3A_90 = arith.constant 0 : i32
      %dma_wait3A_91 = tpu.memref_slice %arg6[%dma_wait3A_89, %dma_wait3A_90] : memref<25x80xi32, #tpu.memory_space<vmem>> -> memref<1x80xi32, #tpu.memory_space<vmem>>
      %dma_wait3A_92 = tpu.memref_squeeze %dma_wait3A_91 : memref<1x80xi32, #tpu.memory_space<vmem>> -> memref<80xi32, #tpu.memory_space<vmem>>
      %dma_wait3A_93 = arith.constant 0 : i32
      %dma_wait3A_94 = arith.constant 0 : i32
      %dma_wait3A_95 = tpu.memref_slice %arg2[%dma_wait3A_93, %dma_wait3A_94] : memref<10000x128xf32, #tpu.memory_space<hbm>> -> memref<10000x128xf32, #tpu.memory_space<hbm>>
      tpu.wait_indirect_dma semaphore(%arg13 : memref<!tpu.dma_semaphore, #tpu.memory_space<semaphore_mem>>) src(%dma_wait3A_95 : memref<10000x128xf32, #tpu.memory_space<hbm>>) dst(%arg8 : memref<80x128xf32, #tpu.memory_space<vmem>>)
      %dma_start3A_96 = arith.constant 20 : i32
      %dma_start3A_97 = arith.constant 0 : i32
      %dma_start3A_98 = tpu.memref_slice %arg7[%dma_start3A_96, %dma_start3A_97] : memref<25x80xi32, #tpu.memory_space<vmem>> -> memref<1x80xi32, #tpu.memory_space<vmem>>
      %dma_start3A_99 = tpu.memref_squeeze %dma_start3A_98 : memref<1x80xi32, #tpu.memory_space<vmem>> -> memref<80xi32, #tpu.memory_space<vmem>>
      %dma_start3A_100 = arith.constant 0 : i32
      %dma_start3A_101 = arith.constant 0 : i32
      %dma_start3A_102 = tpu.memref_slice %arg12[%dma_start3A_100, %dma_start3A_101] : memref<10000x128xf32, #tpu.memory_space<vmem_shared>> -> memref<10000x128xf32, #tpu.memory_space<vmem_shared>>
      tpu.enqueue_indirect_dma source(%arg8 : memref<80x128xf32, #tpu.memory_space<vmem>>) target(%dma_start3A_102 : memref<10000x128xf32, #tpu.memory_space<vmem_shared>>) offsets(%dma_start3A_99 : memref<80xi32, #tpu.memory_space<vmem>>) semaphore(%arg17 : memref<!tpu.dma_semaphore, #tpu.memory_space<semaphore_mem>>) {add = true}
      %dma_wait3A_103 = arith.constant 0 : i32
      %dma_wait3A_104 = arith.constant 0 : i32
      %dma_wait3A_105 = tpu.memref_slice %arg7[%dma_wait3A_103, %dma_wait3A_104] : memref<25x80xi32, #tpu.memory_space<vmem>> -> memref<1x80xi32, #tpu.memory_space<vmem>>
      %dma_wait3A_106 = tpu.memref_squeeze %dma_wait3A_105 : memref<1x80xi32, #tpu.memory_space<vmem>> -> memref<80xi32, #tpu.memory_space<vmem>>
      %dma_wait3A_107 = arith.constant 0 : i32
      %dma_wait3A_108 = arith.constant 0 : i32
      %dma_wait3A_109 = tpu.memref_slice %arg12[%dma_wait3A_107, %dma_wait3A_108] : memref<10000x128xf32, #tpu.memory_space<vmem_shared>> -> memref<10000x128xf32, #tpu.memory_space<vmem_shared>>
      tpu.wait_indirect_dma semaphore(%arg20 : memref<!tpu.dma_semaphore, #tpu.memory_space<semaphore_mem>>) src(%arg11 : memref<80x128xf32, #tpu.memory_space<vmem>>) dst(%dma_wait3A_109 : memref<10000x128xf32, #tpu.memory_space<vmem_shared>>)
      %dma_start3A_110 = arith.constant 23 : i32
      %dma_start3A_111 = arith.constant 0 : i32
      %dma_start3A_112 = tpu.memref_slice %arg6[%dma_start3A_110, %dma_start3A_111] : memref<25x80xi32, #tpu.memory_space<vmem>> -> memref<1x80xi32, #tpu.memory_space<vmem>>
      %dma_start3A_113 = tpu.memref_squeeze %dma_start3A_112 : memref<1x80xi32, #tpu.memory_space<vmem>> -> memref<80xi32, #tpu.memory_space<vmem>>
      %dma_start3A_114 = arith.constant 0 : i32
      %dma_start3A_115 = arith.constant 0 : i32
      %dma_start3A_116 = tpu.memref_slice %arg2[%dma_start3A_114, %dma_start3A_115] : memref<10000x128xf32, #tpu.memory_space<hbm>> -> memref<10000x128xf32, #tpu.memory_space<hbm>>
      tpu.enqueue_indirect_dma source(%dma_start3A_116 : memref<10000x128xf32, #tpu.memory_space<hbm>>) target(%arg11 : memref<80x128xf32, #tpu.memory_space<vmem>>) offsets(%dma_start3A_113 : memref<80xi32, #tpu.memory_space<vmem>>) semaphore(%arg16 : memref<!tpu.dma_semaphore, #tpu.memory_space<semaphore_mem>>)
      %dma_wait3A_117 = arith.constant 0 : i32
      %dma_wait3A_118 = arith.constant 0 : i32
      %dma_wait3A_119 = tpu.memref_slice %arg6[%dma_wait3A_117, %dma_wait3A_118] : memref<25x80xi32, #tpu.memory_space<vmem>> -> memref<1x80xi32, #tpu.memory_space<vmem>>
      %dma_wait3A_120 = tpu.memref_squeeze %dma_wait3A_119 : memref<1x80xi32, #tpu.memory_space<vmem>> -> memref<80xi32, #tpu.memory_space<vmem>>
      %dma_wait3A_121 = arith.constant 0 : i32
      %dma_wait3A_122 = arith.constant 0 : i32
      %dma_wait3A_123 = tpu.memref_slice %arg2[%dma_wait3A_121, %dma_wait3A_122] : memref<10000x128xf32, #tpu.memory_space<hbm>> -> memref<10000x128xf32, #tpu.memory_space<hbm>>
      tpu.wait_indirect_dma semaphore(%arg14 : memref<!tpu.dma_semaphore, #tpu.memory_space<semaphore_mem>>) src(%dma_wait3A_123 : memref<10000x128xf32, #tpu.memory_space<hbm>>) dst(%arg9 : memref<80x128xf32, #tpu.memory_space<vmem>>)
      %dma_start3A_124 = arith.constant 21 : i32
      %dma_start3A_125 = arith.constant 0 : i32
      %dma_start3A_126 = tpu.memref_slice %arg7[%dma_start3A_124, %dma_start3A_125] : memref<25x80xi32, #tpu.memory_space<vmem>> -> memref<1x80xi32, #tpu.memory_space<vmem>>
      %dma_start3A_127 = tpu.memref_squeeze %dma_start3A_126 : memref<1x80xi32, #tpu.memory_space<vmem>> -> memref<80xi32, #tpu.memory_space<vmem>>
      %dma_start3A_128 = arith.constant 0 : i32
      %dma_start3A_129 = arith.constant 0 : i32
      %dma_start3A_130 = tpu.memref_slice %arg12[%dma_start3A_128, %dma_start3A_129] : memref<10000x128xf32, #tpu.memory_space<vmem_shared>> -> memref<10000x128xf32, #tpu.memory_space<vmem_shared>>
      tpu.enqueue_indirect_dma source(%arg9 : memref<80x128xf32, #tpu.memory_space<vmem>>) target(%dma_start3A_130 : memref<10000x128xf32, #tpu.memory_space<vmem_shared>>) offsets(%dma_start3A_127 : memref<80xi32, #tpu.memory_space<vmem>>) semaphore(%arg18 : memref<!tpu.dma_semaphore, #tpu.memory_space<semaphore_mem>>) {add = true}
      %dma_wait3A_131 = arith.constant 0 : i32
      %dma_wait3A_132 = arith.constant 0 : i32
      %dma_wait3A_133 = tpu.memref_slice %arg7[%dma_wait3A_131, %dma_wait3A_132] : memref<25x80xi32, #tpu.memory_space<vmem>> -> memref<1x80xi32, #tpu.memory_space<vmem>>
      %dma_wait3A_134 = tpu.memref_squeeze %dma_wait3A_133 : memref<1x80xi32, #tpu.memory_space<vmem>> -> memref<80xi32, #tpu.memory_space<vmem>>
      %dma_wait3A_135 = arith.constant 0 : i32
      %dma_wait3A_136 = arith.constant 0 : i32
      %dma_wait3A_137 = tpu.memref_slice %arg12[%dma_wait3A_135, %dma_wait3A_136] : memref<10000x128xf32, #tpu.memory_space<vmem_shared>> -> memref<10000x128xf32, #tpu.memory_space<vmem_shared>>
      tpu.wait_indirect_dma semaphore(%arg17 : memref<!tpu.dma_semaphore, #tpu.memory_space<semaphore_mem>>) src(%arg8 : memref<80x128xf32, #tpu.memory_space<vmem>>) dst(%dma_wait3A_137 : memref<10000x128xf32, #tpu.memory_space<vmem_shared>>)
      %dma_start3A_138 = arith.constant 24 : i32
      %dma_start3A_139 = arith.constant 0 : i32
      %dma_start3A_140 = tpu.memref_slice %arg6[%dma_start3A_138, %dma_start3A_139] : memref<25x80xi32, #tpu.memory_space<vmem>> -> memref<1x80xi32, #tpu.memory_space<vmem>>
      %dma_start3A_141 = tpu.memref_squeeze %dma_start3A_140 : memref<1x80xi32, #tpu.memory_space<vmem>> -> memref<80xi32, #tpu.memory_space<vmem>>
      %dma_start3A_142 = arith.constant 0 : i32
      %dma_start3A_143 = arith.constant 0 : i32
      %dma_start3A_144 = tpu.memref_slice %arg2[%dma_start3A_142, %dma_start3A_143] : memref<10000x128xf32, #tpu.memory_space<hbm>> -> memref<10000x128xf32, #tpu.memory_space<hbm>>
      tpu.enqueue_indirect_dma source(%dma_start3A_144 : memref<10000x128xf32, #tpu.memory_space<hbm>>) target(%arg8 : memref<80x128xf32, #tpu.memory_space<vmem>>) offsets(%dma_start3A_141 : memref<80xi32, #tpu.memory_space<vmem>>) semaphore(%arg13 : memref<!tpu.dma_semaphore, #tpu.memory_space<semaphore_mem>>)
      %dma_wait3A_145 = arith.constant 0 : i32
      %dma_wait3A_146 = arith.constant 0 : i32
      %dma_wait3A_147 = tpu.memref_slice %arg6[%dma_wait3A_145, %dma_wait3A_146] : memref<25x80xi32, #tpu.memory_space<vmem>> -> memref<1x80xi32, #tpu.memory_space<vmem>>
      %dma_wait3A_148 = tpu.memref_squeeze %dma_wait3A_147 : memref<1x80xi32, #tpu.memory_space<vmem>> -> memref<80xi32, #tpu.memory_space<vmem>>
      %dma_wait3A_149 = arith.constant 0 : i32
      %dma_wait3A_150 = arith.constant 0 : i32
      %dma_wait3A_151 = tpu.memref_slice %arg2[%dma_wait3A_149, %dma_wait3A_150] : memref<10000x128xf32, #tpu.memory_space<hbm>> -> memref<10000x128xf32, #tpu.memory_space<hbm>>
      tpu.wait_indirect_dma semaphore(%arg15 : memref<!tpu.dma_semaphore, #tpu.memory_space<semaphore_mem>>) src(%dma_wait3A_151 : memref<10000x128xf32, #tpu.memory_space<hbm>>) dst(%arg10 : memref<80x128xf32, #tpu.memory_space<vmem>>)
      %dma_start3A_152 = arith.constant 22 : i32
      %dma_start3A_153 = arith.constant 0 : i32
      %dma_start3A_154 = tpu.memref_slice %arg7[%dma_start3A_152, %dma_start3A_153] : memref<25x80xi32, #tpu.memory_space<vmem>> -> memref<1x80xi32, #tpu.memory_space<vmem>>
      %dma_start3A_155 = tpu.memref_squeeze %dma_start3A_154 : memref<1x80xi32, #tpu.memory_space<vmem>> -> memref<80xi32, #tpu.memory_space<vmem>>
      %dma_start3A_156 = arith.constant 0 : i32
      %dma_start3A_157 = arith.constant 0 : i32
      %dma_start3A_158 = tpu.memref_slice %arg12[%dma_start3A_156, %dma_start3A_157] : memref<10000x128xf32, #tpu.memory_space<vmem_shared>> -> memref<10000x128xf32, #tpu.memory_space<vmem_shared>>
      tpu.enqueue_indirect_dma source(%arg10 : memref<80x128xf32, #tpu.memory_space<vmem>>) target(%dma_start3A_158 : memref<10000x128xf32, #tpu.memory_space<vmem_shared>>) offsets(%dma_start3A_155 : memref<80xi32, #tpu.memory_space<vmem>>) semaphore(%arg19 : memref<!tpu.dma_semaphore, #tpu.memory_space<semaphore_mem>>) {add = true}
      %dma_wait3A_159 = arith.constant 0 : i32
      %dma_wait3A_160 = arith.constant 0 : i32
      %dma_wait3A_161 = tpu.memref_slice %arg6[%dma_wait3A_159, %dma_wait3A_160] : memref<25x80xi32, #tpu.memory_space<vmem>> -> memref<1x80xi32, #tpu.memory_space<vmem>>
      %dma_wait3A_162 = tpu.memref_squeeze %dma_wait3A_161 : memref<1x80xi32, #tpu.memory_space<vmem>> -> memref<80xi32, #tpu.memory_space<vmem>>
      %dma_wait3A_163 = arith.constant 0 : i32
      %dma_wait3A_164 = arith.constant 0 : i32
      %dma_wait3A_165 = tpu.memref_slice %arg2[%dma_wait3A_163, %dma_wait3A_164] : memref<10000x128xf32, #tpu.memory_space<hbm>> -> memref<10000x128xf32, #tpu.memory_space<hbm>>
      tpu.wait_indirect_dma semaphore(%arg16 : memref<!tpu.dma_semaphore, #tpu.memory_space<semaphore_mem>>) src(%dma_wait3A_165 : memref<10000x128xf32, #tpu.memory_space<hbm>>) dst(%arg11 : memref<80x128xf32, #tpu.memory_space<vmem>>)
      %dma_start3A_166 = arith.constant 23 : i32
      %dma_start3A_167 = arith.constant 0 : i32
      %dma_start3A_168 = tpu.memref_slice %arg7[%dma_start3A_166, %dma_start3A_167] : memref<25x80xi32, #tpu.memory_space<vmem>> -> memref<1x80xi32, #tpu.memory_space<vmem>>
      %dma_start3A_169 = tpu.memref_squeeze %dma_start3A_168 : memref<1x80xi32, #tpu.memory_space<vmem>> -> memref<80xi32, #tpu.memory_space<vmem>>
      %dma_start3A_170 = arith.constant 0 : i32
      %dma_start3A_171 = arith.constant 0 : i32
      %dma_start3A_172 = tpu.memref_slice %arg12[%dma_start3A_170, %dma_start3A_171] : memref<10000x128xf32, #tpu.memory_space<vmem_shared>> -> memref<10000x128xf32, #tpu.memory_space<vmem_shared>>
      tpu.enqueue_indirect_dma source(%arg11 : memref<80x128xf32, #tpu.memory_space<vmem>>) target(%dma_start3A_172 : memref<10000x128xf32, #tpu.memory_space<vmem_shared>>) offsets(%dma_start3A_169 : memref<80xi32, #tpu.memory_space<vmem>>) semaphore(%arg20 : memref<!tpu.dma_semaphore, #tpu.memory_space<semaphore_mem>>) {add = true}
      %dma_wait3A_173 = arith.constant 0 : i32
      %dma_wait3A_174 = arith.constant 0 : i32
      %dma_wait3A_175 = tpu.memref_slice %arg6[%dma_wait3A_173, %dma_wait3A_174] : memref<25x80xi32, #tpu.memory_space<vmem>> -> memref<1x80xi32, #tpu.memory_space<vmem>>
      %dma_wait3A_176 = tpu.memref_squeeze %dma_wait3A_175 : memref<1x80xi32, #tpu.memory_space<vmem>> -> memref<80xi32, #tpu.memory_space<vmem>>
      %dma_wait3A_177 = arith.constant 0 : i32
      %dma_wait3A_178 = arith.constant 0 : i32
      %dma_wait3A_179 = tpu.memref_slice %arg2[%dma_wait3A_177, %dma_wait3A_178] : memref<10000x128xf32, #tpu.memory_space<hbm>> -> memref<10000x128xf32, #tpu.memory_space<hbm>>
      tpu.wait_indirect_dma semaphore(%arg13 : memref<!tpu.dma_semaphore, #tpu.memory_space<semaphore_mem>>) src(%dma_wait3A_179 : memref<10000x128xf32, #tpu.memory_space<hbm>>) dst(%arg8 : memref<80x128xf32, #tpu.memory_space<vmem>>)
      %dma_start3A_180 = arith.constant 24 : i32
      %dma_start3A_181 = arith.constant 0 : i32
      %dma_start3A_182 = tpu.memref_slice %arg7[%dma_start3A_180, %dma_start3A_181] : memref<25x80xi32, #tpu.memory_space<vmem>> -> memref<1x80xi32, #tpu.memory_space<vmem>>
      %dma_start3A_183 = tpu.memref_squeeze %dma_start3A_182 : memref<1x80xi32, #tpu.memory_space<vmem>> -> memref<80xi32, #tpu.memory_space<vmem>>
      %dma_start3A_184 = arith.constant 0 : i32
      %dma_start3A_185 = arith.constant 0 : i32
      %dma_start3A_186 = tpu.memref_slice %arg12[%dma_start3A_184, %dma_start3A_185] : memref<10000x128xf32, #tpu.memory_space<vmem_shared>> -> memref<10000x128xf32, #tpu.memory_space<vmem_shared>>
      tpu.enqueue_indirect_dma source(%arg8 : memref<80x128xf32, #tpu.memory_space<vmem>>) target(%dma_start3A_186 : memref<10000x128xf32, #tpu.memory_space<vmem_shared>>) offsets(%dma_start3A_183 : memref<80xi32, #tpu.memory_space<vmem>>) semaphore(%arg17 : memref<!tpu.dma_semaphore, #tpu.memory_space<semaphore_mem>>) {add = true}
      %dma_wait3A_187 = arith.constant 0 : i32
      %dma_wait3A_188 = arith.constant 0 : i32
      %dma_wait3A_189 = tpu.memref_slice %arg7[%dma_wait3A_187, %dma_wait3A_188] : memref<25x80xi32, #tpu.memory_space<vmem>> -> memref<1x80xi32, #tpu.memory_space<vmem>>
      %dma_wait3A_190 = tpu.memref_squeeze %dma_wait3A_189 : memref<1x80xi32, #tpu.memory_space<vmem>> -> memref<80xi32, #tpu.memory_space<vmem>>
      %dma_wait3A_191 = arith.constant 0 : i32
      %dma_wait3A_192 = arith.constant 0 : i32
      %dma_wait3A_193 = tpu.memref_slice %arg12[%dma_wait3A_191, %dma_wait3A_192] : memref<10000x128xf32, #tpu.memory_space<vmem_shared>> -> memref<10000x128xf32, #tpu.memory_space<vmem_shared>>
      tpu.wait_indirect_dma semaphore(%arg17 : memref<!tpu.dma_semaphore, #tpu.memory_space<semaphore_mem>>) src(%arg8 : memref<80x128xf32, #tpu.memory_space<vmem>>) dst(%dma_wait3A_193 : memref<10000x128xf32, #tpu.memory_space<vmem_shared>>)
      %dma_wait3A_194 = arith.constant 0 : i32
      %dma_wait3A_195 = arith.constant 0 : i32
      %dma_wait3A_196 = tpu.memref_slice %arg7[%dma_wait3A_194, %dma_wait3A_195] : memref<25x80xi32, #tpu.memory_space<vmem>> -> memref<1x80xi32, #tpu.memory_space<vmem>>
      %dma_wait3A_197 = tpu.memref_squeeze %dma_wait3A_196 : memref<1x80xi32, #tpu.memory_space<vmem>> -> memref<80xi32, #tpu.memory_space<vmem>>
      %dma_wait3A_198 = arith.constant 0 : i32
      %dma_wait3A_199 = arith.constant 0 : i32
      %dma_wait3A_200 = tpu.memref_slice %arg12[%dma_wait3A_198, %dma_wait3A_199] : memref<10000x128xf32, #tpu.memory_space<vmem_shared>> -> memref<10000x128xf32, #tpu.memory_space<vmem_shared>>
      tpu.wait_indirect_dma semaphore(%arg18 : memref<!tpu.dma_semaphore, #tpu.memory_space<semaphore_mem>>) src(%arg9 : memref<80x128xf32, #tpu.memory_space<vmem>>) dst(%dma_wait3A_200 : memref<10000x128xf32, #tpu.memory_space<vmem_shared>>)
      %dma_wait3A_201 = arith.constant 0 : i32
      %dma_wait3A_202 = arith.constant 0 : i32
      %dma_wait3A_203 = tpu.memref_slice %arg7[%dma_wait3A_201, %dma_wait3A_202] : memref<25x80xi32, #tpu.memory_space<vmem>> -> memref<1x80xi32, #tpu.memory_space<vmem>>
      %dma_wait3A_204 = tpu.memref_squeeze %dma_wait3A_203 : memref<1x80xi32, #tpu.memory_space<vmem>> -> memref<80xi32, #tpu.memory_space<vmem>>
      %dma_wait3A_205 = arith.constant 0 : i32
      %dma_wait3A_206 = arith.constant 0 : i32
      %dma_wait3A_207 = tpu.memref_slice %arg12[%dma_wait3A_205, %dma_wait3A_206] : memref<10000x128xf32, #tpu.memory_space<vmem_shared>> -> memref<10000x128xf32, #tpu.memory_space<vmem_shared>>
      tpu.wait_indirect_dma semaphore(%arg19 : memref<!tpu.dma_semaphore, #tpu.memory_space<semaphore_mem>>) src(%arg10 : memref<80x128xf32, #tpu.memory_space<vmem>>) dst(%dma_wait3A_207 : memref<10000x128xf32, #tpu.memory_space<vmem_shared>>)
      %dma_wait3A_208 = arith.constant 0 : i32
      %dma_wait3A_209 = arith.constant 0 : i32
      %dma_wait3A_210 = tpu.memref_slice %arg7[%dma_wait3A_208, %dma_wait3A_209] : memref<25x80xi32, #tpu.memory_space<vmem>> -> memref<1x80xi32, #tpu.memory_space<vmem>>
      %dma_wait3A_211 = tpu.memref_squeeze %dma_wait3A_210 : memref<1x80xi32, #tpu.memory_space<vmem>> -> memref<80xi32, #tpu.memory_space<vmem>>
      %dma_wait3A_212 = arith.constant 0 : i32
      %dma_wait3A_213 = arith.constant 0 : i32
      %dma_wait3A_214 = tpu.memref_slice %arg12[%dma_wait3A_212, %dma_wait3A_213] : memref<10000x128xf32, #tpu.memory_space<vmem_shared>> -> memref<10000x128xf32, #tpu.memory_space<vmem_shared>>
      tpu.wait_indirect_dma semaphore(%arg20 : memref<!tpu.dma_semaphore, #tpu.memory_space<semaphore_mem>>) src(%arg11 : memref<80x128xf32, #tpu.memory_space<vmem>>) dst(%dma_wait3A_214 : memref<10000x128xf32, #tpu.memory_space<vmem_shared>>)
      %lt3A = arith.constant 4 : i32
      %lt3A_215 = arith.cmpi slt, %scan3A_82, %lt3A : i32
      %convert_element_type3A_216 = arith.extui %lt3A_215 : i1 to i32
      %cond3A_217 = arith.constant 0 : i32
      %cond3A_218 = arith.cmpi ne, %convert_element_type3A_216, %cond3A_217 : i32
      scf.if %cond3A_218 {
        %add3A_219 = arith.constant 1 : i32
        %add3A_220 = arith.addi %scan3A_82, %add3A_219 : i32
        %dma_start3A_221 = arith.constant 0 : i32
        %dma_start3A_222 = arith.constant 0 : i32
        %dma_start3A_223 = arith.constant 0 : i32
        %dma_start3A_224 = tpu.memref_slice %arg3[%dma_start3A_221, %add3A, %add3A_220, %dma_start3A_222, %dma_start3A_223] : memref<2x32x5x25x80xi32, #tpu.memory_space<hbm>> -> memref<1x1x1x25x80xi32, #tpu.memory_space<hbm>>
        %dma_start3A_225 = tpu.memref_squeeze %dma_start3A_224 : memref<1x1x1x25x80xi32, #tpu.memory_space<hbm>> -> memref<25x80xi32, #tpu.memory_space<hbm>>
        %dma_start3A_226 = arith.constant 0 : i32
        %dma_start3A_227 = arith.constant 0 : i32
        %dma_start3A_228 = tpu.memref_slice %arg3[%dma_start3A_221, %add3A, %add3A_220, %dma_start3A_226, %dma_start3A_227] : memref<2x32x5x25x80xi32, #tpu.memory_space<hbm>> -> memref<1x1x1x25x80xi32, #tpu.memory_space<hbm>>
        %dma_start3A_229 = tpu.memref_squeeze %dma_start3A_228 : memref<1x1x1x25x80xi32, #tpu.memory_space<hbm>> -> memref<25x80xi32, #tpu.memory_space<hbm>>
        tpu.enqueue_dma source(%dma_start3A_229 : memref<25x80xi32, #tpu.memory_space<hbm>>) target(%arg6 : memref<25x80xi32, #tpu.memory_space<vmem>>) target_semaphore(%arg21 : memref<!tpu.dma_semaphore, #tpu.memory_space<semaphore_mem>>)
        %dma_start3A_230 = arith.constant 1 : i32
        %dma_start3A_231 = arith.constant 0 : i32
        %dma_start3A_232 = arith.constant 0 : i32
        %dma_start3A_233 = tpu.memref_slice %arg3[%dma_start3A_230, %add3A, %add3A_220, %dma_start3A_231, %dma_start3A_232] : memref<2x32x5x25x80xi32, #tpu.memory_space<hbm>> -> memref<1x1x1x25x80xi32, #tpu.memory_space<hbm>>
        %dma_start3A_234 = tpu.memref_squeeze %dma_start3A_233 : memref<1x1x1x25x80xi32, #tpu.memory_space<hbm>> -> memref<25x80xi32, #tpu.memory_space<hbm>>
        %dma_start3A_235 = arith.constant 0 : i32
        %dma_start3A_236 = arith.constant 0 : i32
        %dma_start3A_237 = tpu.memref_slice %arg3[%dma_start3A_230, %add3A, %add3A_220, %dma_start3A_235, %dma_start3A_236] : memref<2x32x5x25x80xi32, #tpu.memory_space<hbm>> -> memref<1x1x1x25x80xi32, #tpu.memory_space<hbm>>
        %dma_start3A_238 = tpu.memref_squeeze %dma_start3A_237 : memref<1x1x1x25x80xi32, #tpu.memory_space<hbm>> -> memref<25x80xi32, #tpu.memory_space<hbm>>
        tpu.enqueue_dma source(%dma_start3A_238 : memref<25x80xi32, #tpu.memory_space<hbm>>) target(%arg7 : memref<25x80xi32, #tpu.memory_space<vmem>>) target_semaphore(%arg21 : memref<!tpu.dma_semaphore, #tpu.memory_space<semaphore_mem>>)
        %dma_wait3A_239 = arith.constant 0 : i32
        %dma_wait3A_240 = arith.constant 0 : i32
        %dma_wait3A_241 = arith.constant 0 : i32
        %dma_wait3A_242 = tpu.memref_slice %arg3[%dma_wait3A_239, %add3A, %add3A_220, %dma_wait3A_240, %dma_wait3A_241] : memref<2x32x5x25x80xi32, #tpu.memory_space<hbm>> -> memref<1x1x1x25x80xi32, #tpu.memory_space<hbm>>
        %dma_wait3A_243 = tpu.memref_squeeze %dma_wait3A_242 : memref<1x1x1x25x80xi32, #tpu.memory_space<hbm>> -> memref<25x80xi32, #tpu.memory_space<hbm>>
        %dma_wait3A_244 = arith.constant 0 : i32
        %dma_wait3A_245 = arith.constant 0 : i32
        %dma_wait3A_246 = tpu.memref_slice %arg3[%dma_wait3A_239, %add3A, %add3A_220, %dma_wait3A_244, %dma_wait3A_245] : memref<2x32x5x25x80xi32, #tpu.memory_space<hbm>> -> memref<1x1x1x25x80xi32, #tpu.memory_space<hbm>>
        %dma_wait3A_247 = tpu.memref_squeeze %dma_wait3A_246 : memref<1x1x1x25x80xi32, #tpu.memory_space<hbm>> -> memref<25x80xi32, #tpu.memory_space<hbm>>
        tpu.wait_dma2 semaphore(%arg21 : memref<!tpu.dma_semaphore, #tpu.memory_space<semaphore_mem>>) src(%dma_wait3A_247 : memref<25x80xi32, #tpu.memory_space<hbm>>) dst(%arg6 : memref<25x80xi32, #tpu.memory_space<vmem>>)
        %dma_wait3A_248 = arith.constant 1 : i32
        %dma_wait3A_249 = arith.constant 0 : i32
        %dma_wait3A_250 = arith.constant 0 : i32
        %dma_wait3A_251 = tpu.memref_slice %arg3[%dma_wait3A_248, %add3A, %add3A_220, %dma_wait3A_249, %dma_wait3A_250] : memref<2x32x5x25x80xi32, #tpu.memory_space<hbm>> -> memref<1x1x1x25x80xi32, #tpu.memory_space<hbm>>
        %dma_wait3A_252 = tpu.memref_squeeze %dma_wait3A_251 : memref<1x1x1x25x80xi32, #tpu.memory_space<hbm>> -> memref<25x80xi32, #tpu.memory_space<hbm>>
        %dma_wait3A_253 = arith.constant 0 : i32
        %dma_wait3A_254 = arith.constant 0 : i32
        %dma_wait3A_255 = tpu.memref_slice %arg3[%dma_wait3A_248, %add3A, %add3A_220, %dma_wait3A_253, %dma_wait3A_254] : memref<2x32x5x25x80xi32, #tpu.memory_space<hbm>> -> memref<1x1x1x25x80xi32, #tpu.memory_space<hbm>>
        %dma_wait3A_256 = tpu.memref_squeeze %dma_wait3A_255 : memref<1x1x1x25x80xi32, #tpu.memory_space<hbm>> -> memref<25x80xi32, #tpu.memory_space<hbm>>
        tpu.wait_dma2 semaphore(%arg21 : memref<!tpu.dma_semaphore, #tpu.memory_space<semaphore_mem>>) src(%dma_wait3A_256 : memref<25x80xi32, #tpu.memory_space<hbm>>) dst(%arg7 : memref<25x80xi32, #tpu.memory_space<vmem>>)
        %dma_start3A_257 = arith.constant 0 : i32
        %dma_start3A_258 = arith.constant 0 : i32
        %dma_start3A_259 = tpu.memref_slice %arg6[%dma_start3A_257, %dma_start3A_258] : memref<25x80xi32, #tpu.memory_space<vmem>> -> memref<1x80xi32, #tpu.memory_space<vmem>>
        %dma_start3A_260 = tpu.memref_squeeze %dma_start3A_259 : memref<1x80xi32, #tpu.memory_space<vmem>> -> memref<80xi32, #tpu.memory_space<vmem>>
        %dma_start3A_261 = arith.constant 0 : i32
        %dma_start3A_262 = arith.constant 0 : i32
        %dma_start3A_263 = tpu.memref_slice %arg2[%dma_start3A_261, %dma_start3A_262] : memref<10000x128xf32, #tpu.memory_space<hbm>> -> memref<10000x128xf32, #tpu.memory_space<hbm>>
        tpu.enqueue_indirect_dma source(%dma_start3A_263 : memref<10000x128xf32, #tpu.memory_space<hbm>>) target(%arg8 : memref<80x128xf32, #tpu.memory_space<vmem>>) offsets(%dma_start3A_260 : memref<80xi32, #tpu.memory_space<vmem>>) semaphore(%arg13 : memref<!tpu.dma_semaphore, #tpu.memory_space<semaphore_mem>>)
        %dma_start3A_264 = arith.constant 1 : i32
        %dma_start3A_265 = arith.constant 0 : i32
        %dma_start3A_266 = tpu.memref_slice %arg6[%dma_start3A_264, %dma_start3A_265] : memref<25x80xi32, #tpu.memory_space<vmem>> -> memref<1x80xi32, #tpu.memory_space<vmem>>
        %dma_start3A_267 = tpu.memref_squeeze %dma_start3A_266 : memref<1x80xi32, #tpu.memory_space<vmem>> -> memref<80xi32, #tpu.memory_space<vmem>>
        %dma_start3A_268 = arith.constant 0 : i32
        %dma_start3A_269 = arith.constant 0 : i32
        %dma_start3A_270 = tpu.memref_slice %arg2[%dma_start3A_268, %dma_start3A_269] : memref<10000x128xf32, #tpu.memory_space<hbm>> -> memref<10000x128xf32, #tpu.memory_space<hbm>>
        tpu.enqueue_indirect_dma source(%dma_start3A_270 : memref<10000x128xf32, #tpu.memory_space<hbm>>) target(%arg9 : memref<80x128xf32, #tpu.memory_space<vmem>>) offsets(%dma_start3A_267 : memref<80xi32, #tpu.memory_space<vmem>>) semaphore(%arg14 : memref<!tpu.dma_semaphore, #tpu.memory_space<semaphore_mem>>)
        %dma_start3A_271 = arith.constant 2 : i32
        %dma_start3A_272 = arith.constant 0 : i32
        %dma_start3A_273 = tpu.memref_slice %arg6[%dma_start3A_271, %dma_start3A_272] : memref<25x80xi32, #tpu.memory_space<vmem>> -> memref<1x80xi32, #tpu.memory_space<vmem>>
        %dma_start3A_274 = tpu.memref_squeeze %dma_start3A_273 : memref<1x80xi32, #tpu.memory_space<vmem>> -> memref<80xi32, #tpu.memory_space<vmem>>
        %dma_start3A_275 = arith.constant 0 : i32
        %dma_start3A_276 = arith.constant 0 : i32
        %dma_start3A_277 = tpu.memref_slice %arg2[%dma_start3A_275, %dma_start3A_276] : memref<10000x128xf32, #tpu.memory_space<hbm>> -> memref<10000x128xf32, #tpu.memory_space<hbm>>
        tpu.enqueue_indirect_dma source(%dma_start3A_277 : memref<10000x128xf32, #tpu.memory_space<hbm>>) target(%arg10 : memref<80x128xf32, #tpu.memory_space<vmem>>) offsets(%dma_start3A_274 : memref<80xi32, #tpu.memory_space<vmem>>) semaphore(%arg15 : memref<!tpu.dma_semaphore, #tpu.memory_space<semaphore_mem>>)
      } else {
      }
    }
    %scan3A_71 = arith.constant 5 : i32
    %barrier3A_72 = arith.constant 0 : index
    tpu.barrier barrier_id(%barrier3A_72)
    %mul3A_73 = arith.constant 624 : i32
    %mul3A_74 = arith.muli %arg1, %mul3A_73 : i32
    %mul3A_75 = arith.constant 624 : i32
    %mul3A_76 = arith.muli %arg1, %mul3A_75 : i32
    "tpu.region"() ({
      %run_scoped3A = tpu.sem_alloc : memref<!tpu.dma_semaphore, #tpu.memory_space<semaphore_mem>>
      %dma_start3A_82 = arith.constant 0 : i32
      %dma_start3A_83 = tpu.memref_slice %arg5[%arg0, %mul3A_76, %dma_start3A_82] : memref<2x10000x128xf32, #tpu.memory_space<hbm>> -> memref<1x624x128xf32, #tpu.memory_space<hbm>>
      %dma_start3A_84 = tpu.memref_squeeze %dma_start3A_83 : memref<1x624x128xf32, #tpu.memory_space<hbm>> -> memref<624x128xf32, #tpu.memory_space<hbm>>
      %dma_start3A_85 = arith.constant 0 : i32
      %dma_start3A_86 = tpu.memref_slice %arg12[%mul3A_74, %dma_start3A_85] : memref<10000x128xf32, #tpu.memory_space<vmem_shared>> -> memref<624x128xf32, #tpu.memory_space<vmem_shared>>
      tpu.enqueue_dma source(%dma_start3A_86 : memref<624x128xf32, #tpu.memory_space<vmem_shared>>) target(%dma_start3A_84 : memref<624x128xf32, #tpu.memory_space<hbm>>) target_semaphore(%run_scoped3A : memref<!tpu.dma_semaphore, #tpu.memory_space<semaphore_mem>>)
      %dma_wait3A_87 = arith.constant 0 : i32
      %dma_wait3A_88 = tpu.memref_slice %arg5[%arg0, %mul3A_76, %dma_wait3A_87] : memref<2x10000x128xf32, #tpu.memory_space<hbm>> -> memref<1x624x128xf32, #tpu.memory_space<hbm>>
      %dma_wait3A_89 = tpu.memref_squeeze %dma_wait3A_88 : memref<1x624x128xf32, #tpu.memory_space<hbm>> -> memref<624x128xf32, #tpu.memory_space<hbm>>
      %dma_wait3A_90 = arith.constant 0 : i32
      %dma_wait3A_91 = tpu.memref_slice %arg12[%mul3A_74, %dma_wait3A_90] : memref<10000x128xf32, #tpu.memory_space<vmem_shared>> -> memref<624x128xf32, #tpu.memory_space<vmem_shared>>
      tpu.wait_dma2 semaphore(%run_scoped3A : memref<!tpu.dma_semaphore, #tpu.memory_space<semaphore_mem>>) src(%dma_wait3A_91 : memref<624x128xf32, #tpu.memory_space<vmem_shared>>) dst(%dma_wait3A_89 : memref<624x128xf32, #tpu.memory_space<hbm>>)
      tpu.yield
    }) : () -> ()
    %eq3A_77 = arith.constant 0 : i32
    %eq3A_78 = arith.cmpi eq, %arg1, %eq3A_77 : i32
    %convert_element_type3A_79 = arith.extui %eq3A_78 : i1 to i32
    %cond3A_80 = arith.constant 0 : i32
    %cond3A_81 = arith.cmpi ne, %convert_element_type3A_79, %cond3A_80 : i32
    scf.if %cond3A_81 {
      "tpu.region"() ({
        %run_scoped3A = tpu.sem_alloc : memref<!tpu.dma_semaphore, #tpu.memory_space<semaphore_mem>>
        %dma_start3A_82 = arith.constant 9984 : i32
        %dma_start3A_83 = arith.constant 0 : i32
        %dma_start3A_84 = tpu.memref_slice %arg5[%arg0, %dma_start3A_82, %dma_start3A_83] : memref<2x10000x128xf32, #tpu.memory_space<hbm>> -> memref<1x16x128xf32, #tpu.memory_space<hbm>>
        %dma_start3A_85 = tpu.memref_squeeze %dma_start3A_84 : memref<1x16x128xf32, #tpu.memory_space<hbm>> -> memref<16x128xf32, #tpu.memory_space<hbm>>
        %dma_start3A_86 = arith.constant 9984 : i32
        %dma_start3A_87 = arith.constant 0 : i32
        %dma_start3A_88 = tpu.memref_slice %arg12[%dma_start3A_86, %dma_start3A_87] : memref<10000x128xf32, #tpu.memory_space<vmem_shared>> -> memref<16x128xf32, #tpu.memory_space<vmem_shared>>
        tpu.enqueue_dma source(%dma_start3A_88 : memref<16x128xf32, #tpu.memory_space<vmem_shared>>) target(%dma_start3A_85 : memref<16x128xf32, #tpu.memory_space<hbm>>) target_semaphore(%run_scoped3A : memref<!tpu.dma_semaphore, #tpu.memory_space<semaphore_mem>>)
        %dma_wait3A_89 = arith.constant 9984 : i32
        %dma_wait3A_90 = arith.constant 0 : i32
        %dma_wait3A_91 = tpu.memref_slice %arg5[%arg0, %dma_wait3A_89, %dma_wait3A_90] : memref<2x10000x128xf32, #tpu.memory_space<hbm>> -> memref<1x16x128xf32, #tpu.memory_space<hbm>>
        %dma_wait3A_92 = tpu.memref_squeeze %dma_wait3A_91 : memref<1x16x128xf32, #tpu.memory_space<hbm>> -> memref<16x128xf32, #tpu.memory_space<hbm>>
        %dma_wait3A_93 = arith.constant 9984 : i32
        %dma_wait3A_94 = arith.constant 0 : i32
        %dma_wait3A_95 = tpu.memref_slice %arg12[%dma_wait3A_93, %dma_wait3A_94] : memref<10000x128xf32, #tpu.memory_space<vmem_shared>> -> memref<16x128xf32, #tpu.memory_space<vmem_shared>>
        tpu.wait_dma2 semaphore(%run_scoped3A : memref<!tpu.dma_semaphore, #tpu.memory_space<semaphore_mem>>) src(%dma_wait3A_95 : memref<16x128xf32, #tpu.memory_space<vmem_shared>>) dst(%dma_wait3A_92 : memref<16x128xf32, #tpu.memory_space<hbm>>)
        tpu.yield
      }) : () -> ()
    } else {
    }
    return
  }
}

module attributes {stable_mosaic.version = 14 : i64} {
  func.func @_fuse_body(%arg0: memref<128x320xf32, #tpu.memory_space<vmem>>, %arg1: memref<1x320xf32, #tpu.memory_space<vmem>>, %arg2: memref<320x512xf32, #tpu.memory_space<vmem>>, %arg3: memref<1x512xf32, #tpu.memory_space<vmem>>, %arg4: memref<128x512xf32, #tpu.memory_space<vmem>>, %arg5: memref<1x512xf32, #tpu.memory_space<vmem>>) attributes {dimension_semantics = [], scalar_prefetch = 0 : i64, scratch_operands = 0 : i64, tpu.core_type = #tpu.core_type<tc>} {
    %get3A = arith.constant 0 : index
    %get3A_0 = arith.constant 0 : index
    %get3A_1 = vector.load %arg0[%get3A, %get3A_0] : memref<128x320xf32, #tpu.memory_space<vmem>>, vector<128x320xf32>
    %get3A_2 = arith.constant 0 : index
    %get3A_3 = arith.constant 0 : index
    %get3A_4 = vector.load %arg2[%get3A_2, %get3A_3] : memref<320x512xf32, #tpu.memory_space<vmem>>, vector<320x512xf32>
    %dot_general3A = arith.constant dense<0.000000e+00> : vector<128x512xf32>
    %dot_general3A_5 = tpu.matmul %get3A_1, %get3A_4, %dot_general3A {dimension_numbers = #tpu.dot_dimension_numbers<[1], [0], [0], [1], [0, 0, 1, 1], [], []>, transpose_lhs_hint = false} : vector<128x320xf32>, vector<320x512xf32>, vector<128x512xf32> -> vector<128x512xf32>
    %swap3A = arith.constant 0 : index
    %swap3A_6 = arith.constant 0 : index
    %swap3A_7 = vector.load %arg4[%swap3A, %swap3A_6] : memref<128x512xf32, #tpu.memory_space<vmem>>, vector<128x512xf32>
    tpu.vector_store %arg4[%swap3A, %swap3A_6], %dot_general3A_5 {strides = array<i32>} : memref<128x512xf32, #tpu.memory_space<vmem>>, vector<128x512xf32>,
    %get3A_8 = arith.constant 0 : index
    %get3A_9 = arith.constant 0 : index
    %get3A_10 = vector.load %arg1[%get3A_8, %get3A_9] : memref<1x320xf32, #tpu.memory_space<vmem>>, vector<1x320xf32>
    %get3A_11 = arith.constant 0 : index
    %get3A_12 = arith.constant 0 : index
    %get3A_13 = vector.load %arg2[%get3A_11, %get3A_12] : memref<320x512xf32, #tpu.memory_space<vmem>>, vector<320x512xf32>
    %dot_general3A_14 = arith.constant dense<0.000000e+00> : vector<1x512xf32>
    %dot_general3A_15 = tpu.matmul %get3A_10, %get3A_13, %dot_general3A_14 {dimension_numbers = #tpu.dot_dimension_numbers<[1], [0], [0], [1], [0, 0, 1, 1], [], []>, transpose_lhs_hint = false} : vector<1x320xf32>, vector<320x512xf32>, vector<1x512xf32> -> vector<1x512xf32>
    %get3A_16 = arith.constant 0 : index
    %get3A_17 = arith.constant 0 : index
    %get3A_18 = vector.load %arg3[%get3A_16, %get3A_17] : memref<1x512xf32, #tpu.memory_space<vmem>>, vector<1x512xf32>
    %add3A = arith.addf %dot_general3A_15, %get3A_18 : vector<1x512xf32>
    %swap3A_19 = arith.constant 0 : index
    %swap3A_20 = arith.constant 0 : index
    %swap3A_21 = vector.load %arg5[%swap3A_19, %swap3A_20] : memref<1x512xf32, #tpu.memory_space<vmem>>, vector<1x512xf32>
    tpu.vector_store %arg5[%swap3A_19, %swap3A_20], %add3A {strides = array<i32>} : memref<1x512xf32, #tpu.memory_space<vmem>>, vector<1x512xf32>,
    return
  }
}

module attributes {stable_mosaic.version = 14 : i64} {
  func.func @_mlp_body(%arg0: i32, %arg1: memref<2x2000x128xf32, #tpu.memory_space<vmem>>, %arg2: memref<128x512xf32, #tpu.memory_space<vmem>>, %arg3: memref<1x512xf32, #tpu.memory_space<vmem>>, %arg4: memref<2000x512xf32, #tpu.memory_space<vmem>>) attributes {dimension_semantics = [#tpu.dimension_semantics<arbitrary>], iteration_bounds = array<i64: 5>, scalar_prefetch = 0 : i64, scratch_operands = 0 : i64, tpu.core_type = #tpu.core_type<tc>, window_params = [{transform_indices = @transform_0, window_bounds = array<i64: 2, 2000, 128>}, {pipeline_mode = #tpu.pipeline_mode<synchronous>, transform_indices = @transform_1, window_bounds = array<i64: 128, 512>}, {pipeline_mode = #tpu.pipeline_mode<synchronous>, transform_indices = @transform_2, window_bounds = array<i64: 1, 512>}, {transform_indices = @transform_3, window_bounds = array<i64: 2000, 512>}]} {
    %get3A = arith.constant 0 : index
    %get3A_0 = arith.constant 0 : index
    %get3A_1 = arith.constant 0 : index
    %get3A_2 = vector.load %arg1[%get3A, %get3A_0, %get3A_1] : memref<2x2000x128xf32, #tpu.memory_space<vmem>>, vector<1x2000x128xf32>
    %get3A_3 = vector.shape_cast %get3A_2 : vector<1x2000x128xf32> to vector<2000x128xf32>
    %get3A_4 = arith.constant 1 : index
    %get3A_5 = arith.constant 0 : index
    %get3A_6 = arith.constant 0 : index
    %get3A_7 = vector.load %arg1[%get3A_4, %get3A_5, %get3A_6] : memref<2x2000x128xf32, #tpu.memory_space<vmem>>, vector<1x2000x128xf32>
    %get3A_8 = vector.shape_cast %get3A_7 : vector<1x2000x128xf32> to vector<2000x128xf32>
    %add3A = arith.addf %get3A_3, %get3A_8 : vector<2000x128xf32>
    %get3A_9 = arith.constant 0 : index
    %get3A_10 = arith.constant 0 : index
    %get3A_11 = vector.load %arg2[%get3A_9, %get3A_10] : memref<128x512xf32, #tpu.memory_space<vmem>>, vector<128x512xf32>
    %dot_general3A = arith.constant dense<0.000000e+00> : vector<2000x512xf32>
    %dot_general3A_12 = tpu.matmul %add3A, %get3A_11, %dot_general3A {dimension_numbers = #tpu.dot_dimension_numbers<[1], [0], [0], [1], [0, 0, 1, 1], [], []>, transpose_lhs_hint = false} : vector<2000x128xf32>, vector<128x512xf32>, vector<2000x512xf32> -> vector<2000x512xf32>
    %get3A_13 = arith.constant 0 : index
    %get3A_14 = arith.constant 0 : index
    %get3A_15 = vector.load %arg3[%get3A_13, %get3A_14] : memref<1x512xf32, #tpu.memory_space<vmem>>, vector<1x512xf32>
    %add3A_16 = vector.broadcast %get3A_15 : vector<1x512xf32> to vector<2000x512xf32>
    %add3A_17 = arith.addf %dot_general3A_12, %add3A_16 : vector<2000x512xf32>
    %swap3A = arith.constant 0 : index
    %swap3A_18 = arith.constant 0 : index
    %swap3A_19 = vector.load %arg4[%swap3A, %swap3A_18] : memref<2000x512xf32, #tpu.memory_space<vmem>>, vector<2000x512xf32>
    tpu.vector_store %arg4[%swap3A, %swap3A_18], %add3A_17 {strides = array<i32>} : memref<2000x512xf32, #tpu.memory_space<vmem>>, vector<2000x512xf32>,
    return
  }
  func.func @transform_0(%arg0: i32) -> (i32, i32, i32) {
    %c0_i32 = arith.constant 0 : i32
    %c0_i32_0 = arith.constant 0 : i32
    %c0_i32_1 = arith.constant 0 : i32
    return %c0_i32, %arg0, %c0_i32_0 : i32, i32, i32
  }
  func.func @transform_1(%arg0: i32) -> (i32, i32) {
    %c0_i32 = arith.constant 0 : i32
    %c0_i32_0 = arith.constant 0 : i32
    %c0_i32_1 = arith.constant 0 : i32
    return %c0_i32, %c0_i32_0 : i32, i32
  }
  func.func @transform_2(%arg0: i32) -> (i32, i32) {
    %c0_i32 = arith.constant 0 : i32
    %c0_i32_0 = arith.constant 0 : i32
    %c0_i32_1 = arith.constant 0 : i32
    return %c0_i32, %c0_i32_0 : i32, i32
  }
  func.func @transform_3(%arg0: i32) -> (i32, i32) {
    %c0_i32 = arith.constant 0 : i32
    %c0_i32_0 = arith.constant 0 : i32
    return %arg0, %c0_i32 : i32, i32
  }
}

</mosaic_0001>

<sc_bundles>
// kernel: kernel.5.cloned.1.call-start
scs
__scs_entry_jumppad:
0x0: {  	(pc) =	sbr.rel $0x88, $3  }
0x1: {  	(tag) =	ssettag $0x0;
	lr =	simm.s32 $0x1  }
0x2: {  	[smem:$0x3F9B] =	sst lr;
	_ =	strace $0xD0000000  }
0x3: {  	_ = 	snop  }
0x4: {  	_ = 	snop  }
0x5: {  	_ = 	snop  }
0x6: {  	_ = 	snop  }
0x7: {  	_ = 	snop  }
__scs_overlays_trampoline_lowered:
0x8: {  	[smem:$0x3FAA] =	sst s0  }
0x9: {  	[smem:$0x3FAB] =	sst s1  }
0xa: {  	[smem:$0x3FAC] =	sst s2  }
0xb: {  	[smem:$0x3FAD] =	sst s3  }
0xc: {  	[smem:$0x3FAE] =	sst s4  }
0xd: {  	[smem:$0x3FAF] =	sst s5  }
0xe: {  	[smem:$0x3FB0] =	sst s6  }
0xf: {  	[smem:$0x3FB1] =	sst s7  }
0x10: {  	[smem:$0x3FB2] =	sst s8  }
0x11: {  	[smem:$0x3FB3] =	sst s9;
	s0 =	simm.s32 @!p0 $0x0  }
0x12: {  	s1 =	sld [smem:$0x3F99];
	s0 =	simm.s32 @p0 $0x1  }
0x13: {  	[smem:$0x3FB4] =	sst s0;
	s0 =	simm.s32 @!p1 $0x0  }
0x14: {  	s2 =	sld [smem:$0x3F98];
	s0 =	simm.s32 @p1 $0x1  }
0x15: {  	[smem:$0x3FB5] =	sst s0;
	s0 =	simm.s32 @!p2 $0x0  }
0x16: {  	s3 =	sld [smem:$0x3FDB];
	s0 =	simm.s32 @p2 $0x1  }
0x17: {  	s4 =	simm.s32 $0x1BF5;
	[smem:$0x3FB7] =	sst s0  }
0x18: {  	s0 =	sld [smem:$0x3F9A];
	_ =	swait.ge [sflag:s4], $0x0  }
0x19: {  	s7 =	sld [smem:$0x3F9B]  }
0x1a: {  	s8 =	sadd.s32 $0xFFFFE003, lr  }
0x1b: {  	s9 =	sadd.s32 $0xFFFFFEF7, lr;
	s5 =	simm.s32 $0xFFFFFFFF;
	p2 =	slt.u32 s8, $0xFFFFF086  }
0x1c: {  	p1 =	slt.u32 s9, $0xF7A;
	s5 =	simm.s32 @!p2 $0x0  }
0x1d: {  	s5 =	simm.s32 @p1 $0x1;
	p0 =	seq.s32 s7, s2  }
0x1e: {  	s7 =	smul.u32 @!p0 $0xF7A, s2;
	p2 =	seq.s32 @!p0 s5, $0x0  }
0x1f: {  	s9 =	smul.u32 $0xF7A, s1;
	s8 =	simm.s32 @!p0 $0x1BF5;
	p2 =	por !p2, p0  }
0x20: {  	[sflag:s8] =	ssyncset.s32 @!p0 $0xFFFFF086;
	s6 =	sadd.s32 @!p0 s3, s7;
	s7 =	simm.s32 @!p0 $0x108  }
0x21: {  	s3 =	sadd.s32 s3, s9;
	s6 =	sadd.s32 @!p0 $0x88, s6;
	s7 =	simm.s32 @p2 $0x1082  }
0x22: {  	[simem:s7], [sflag:s8] =	dma.local @!p0 [hbm:s6], $0xF7A  }
0x23: {  	s9 =	sor.u32 $0xD0000000, s2;
	s6 =	simm.s32 $0x108;
	_ =	swait.ge @!p0 [sflag:s8], $0x0  }
0x24: {  	s3 =	sadd.s32 $0x88, s3;
	s6 =	simm.s32 @!p1 $0x1082;
	[sflag:s4] =	ssyncset.s32 $0xFFFFF086  }
0x25: {  	[simem:s6], [sflag:s4] =	dma.local [hbm:s3], $0xF7A  }
0x26: {  	[smem:$0x3F9B] =	sst s1;
	(tag) =	ssettag s2;
	_ =	strace s9  }
0x27: {  	s1 =	sld [smem:$0x3FAB]  }
0x28: {  	s2 =	sld [smem:$0x3FAC]  }
0x29: {  	s4 =	sld [smem:$0x3FAE]  }
0x2a: {  	p0 =	seq.s32 s5, $0x0;
	s5 =	sld [smem:$0x3FAF]  }
0x2b: {  	s6 =	sld [smem:$0x3FB0]  }
0x2c: {  	s7 =	sld [smem:$0x3FB1]  }
0x2d: {  	s3 =	simm.s32 $0x108;
	s8 =	sld [smem:$0x3FB2]  }
0x2e: {  	s3 =	simm.s32 @!p0 $0x1082;
	s9 =	sld [smem:$0x3FB3]  }
0x2f: {  	lr =	sadd.s32 s0, s3;
	s0 =	sld [smem:$0x3FAA]  }
0x30: {  	s3 =	sld [smem:$0x3FAD]  }
0x31: {  	[smem:$0x3FB6] =	sst s10  }
0x32: {  	s10 =	sld [smem:$0x3FB4];
	_ =	sdelay $0x3  }
0x33: {  	p0 =	seq.s32 s10, $0x1;
	s10 =	sld [smem:$0x3FB6];
	_ =	sdelay $0x3  }
0x34: {  	[smem:$0x3FB6] =	sst s10  }
0x35: {  	s10 =	sld [smem:$0x3FB5];
	_ =	sdelay $0x3  }
0x36: {  	p1 =	seq.s32 s10, $0x1;
	s10 =	sld [smem:$0x3FB6];
	_ =	sdelay $0x3  }
0x37: {  	[smem:$0x3FB6] =	sst s10  }
0x38: {  	s10 =	sld [smem:$0x3FB7]  }
0x39: {  	_ = 	snop;
	(pc) =	sbr.ind lr, $3  }
0x3a: {  	_ = 	snop  }
0x3b: {  	_ = 	snop  }
0x3c: {  	p2 =	seq.s32 s10, $0x1;
	s10 =	sld [smem:$0x3FB6]  }
0x3d: {  	_ =	shalt  }
0x3e: {  	_ =	shalt  }
0x3f: {  	_ =	shalt  }
0x40: {  	_ =	shalt  }
0x41: {  	_ =	shalt  }
0x42: {  	_ =	shalt  }
0x43: {  	_ =	shalt  }
0x44: {  	_ =	shalt  }
0x45: {  	_ =	shalt  }
0x46: {  	_ =	shalt  }
0x47: {  	_ =	shalt  }
0x48: {  	_ =	shalt  }
0x49: {  	_ =	shalt  }
0x4a: {  	_ =	shalt  }
0x4b: {  	_ =	shalt  }
0x4c: {  	_ =	shalt  }
0x4d: {  	_ =	shalt  }
0x4e: {  	_ =	shalt  }
0x4f: {  	_ =	shalt  }
0x50: {  	_ =	shalt  }
0x51: {  	_ =	shalt  }
0x52: {  	_ =	shalt  }
0x53: {  	_ =	shalt  }
0x54: {  	_ =	shalt  }
0x55: {  	_ =	shalt  }
0x56: {  	_ =	shalt  }
0x57: {  	_ =	shalt  }
0x58: {  	_ =	shalt  }
0x59: {  	_ =	shalt  }
0x5a: {  	_ =	shalt  }
0x5b: {  	_ =	shalt  }
0x5c: {  	_ =	shalt  }
0x5d: {  	_ =	shalt  }
0x5e: {  	_ =	shalt  }
0x5f: {  	_ =	shalt  }
0x60: {  	_ =	shalt  }
0x61: {  	_ =	shalt  }
0x62: {  	_ =	shalt  }
0x63: {  	_ =	shalt  }
0x64: {  	_ =	shalt  }
0x65: {  	_ =	shalt  }
0x66: {  	_ =	shalt  }
0x67: {  	_ =	shalt  }
0x68: {  	_ =	shalt  }
0x69: {  	_ =	shalt  }
0x6a: {  	_ =	shalt  }
0x6b: {  	_ =	shalt  }
0x6c: {  	_ =	shalt  }
0x6d: {  	_ =	shalt  }
0x6e: {  	_ =	shalt  }
0x6f: {  	_ =	shalt  }
0x70: {  	_ =	shalt  }
0x71: {  	_ =	shalt  }
0x72: {  	_ =	shalt  }
0x73: {  	_ =	shalt  }
0x74: {  	_ =	shalt  }
0x75: {  	_ =	shalt  }
0x76: {  	_ =	shalt  }
0x77: {  	_ =	shalt  }
0x78: {  	_ =	shalt  }
0x79: {  	_ =	shalt  }
0x7a: {  	_ =	shalt  }
0x7b: {  	_ =	shalt  }
0x7c: {  	_ =	shalt  }
0x7d: {  	_ =	shalt  }
0x7e: {  	_ =	shalt  }
0x7f: {  	_ =	shalt  }
0x80: {  	_ =	shalt  }
0x81: {  	_ =	shalt  }
0x82: {  	_ =	shalt  }
0x83: {  	_ =	shalt  }
0x84: {  	_ =	shalt  }
0x85: {  	_ =	shalt  }
0x86: {  	_ =	shalt  }
0x87: {  	_ =	shalt  }
.Lfunc_end0:
.L_simem_size_0:
called_computation_lowered:
.L_overlay_start_0:
0x88: {  	s2 =	sld [smem:$0x3FD9]  }
0x89: {  	s3 =	sld [smem:$0x3FFE];
	_ =	sdelay $0x1  }
0x8a: {  	s1 =	srdreg.scid  }
0x8b: {  	s0 =	sand.u32 $0x1, s1  }
0x8c: {  	s17 =	sshll.u32 s0, $0xA;
	s2 =	sadd.s32 s3, s2  }
0x8d: {  	s2 =	sadd.s32 s2, s17  }
0x8e: {  	[smem:$0x3FC2] =	sst s2  }
0x8f: {  	_ = 	snop  }
0x90: {  	s2 =	sld [smem:$0x3FC9]  }
0x91: {  	s18 =	sld [smem:$0x3FD0];
	(tm) =	ssettm $0x1  }
0x92: {  	s4 =	sld [smem:$0x3FFB];
	_ =	sdelay $0x3  }
0x93: {  	_ =	strace s4  }
0x94: {  	s4 =	sld [smem:$0x3FFC];
	_ =	sdelay $0x3  }
0x95: {  	_ =	strace s4  }
0x96: {  	s4 =	sld [smem:$0x3FFD];
	_ =	sdelay $0x3  }
0x97: {  	_ =	strace s4  }
0x98: {  	_ =	strace $0x8FFFFFFF  }
0x99: {  	s19 =	sld [smem:$0x3FDB];
	_ =	sdelay $0x1  }
0x9a: {  	s5 =	simm.s32 $_scs_section_size  }
0x9b: {  	s6 =	simm.s32 $_size__tile_overlayer_lowered;
	s7 =	simm.s32 $_tile_overlayer_lowered  }
0x9c: {  	s22 =	simm.s32 $0x1BFF;
	s21 =	sshll.u32 s7, $0x1;
	s4 =	sadd.s32 s5, s19  }
0x9d: {  	s8 =	simm.s32 $0x0;
	s20 =	sshll.u32 s6, $0x1;
	s6 =	sadd.s32 s21, s4  }
0x9e: {  	[timem:s8], [sflag:s22] =	dma.local [hbm:s6], s20  }
0x9f: {  	_ =	swait.ge [sflag:s22], s20  }
0xa0: {  	s5 =	ssub.s32 $0x0, s20;
	[sflag:s22] =	ssyncset.done $0x0  }
0xa1: {  	[sflag:s22] =	ssyncadd.s32 s5;
	_ =	sdelay $0x1  }
0xa2: {  	s23 =	simm.s32 $0x1B8B  }
0xa3: {  	_ =	swait.ge [sflag:s23], $0x1  }
0xa4: {  	[sflag:s23] =	ssyncset.done $0x0  }
0xa5: {  	s25 =	simm.s32 $0x1B8E;
	s24 =	sld [smem:$0x3FFE];
	[sflag:s23] =	ssyncadd.s32 $0xFFFFFFFF  }
0xa6: {  	s26 =	simm.s32 $execute0_lowered;
	[smem:$0x3FD2] =	sst s25  }
0xa7: {  	s6 =	sshll.u32 s26, $0x1;
	_ =	strace $0x80000046;
	[dreg:$0x1] =	wrdreg $0xFFFFFFFF  }
0xa8: {  	s28 =	simm.s32 $_size_execute0_lowered;
	s4 =	sadd.s32 s4, s6;
	[dreg:$0x0] =	wrdreg $0x0  }
0xa9: {  	s6 =	sshll.u32 s28, $0x1;
	[dreg:$0x2] =	wrdreg s4  }
0xaa: {  	[dreg:$0x3] =	wrdreg s6  }
0xab: {  	[dreg:$0x4] =	wrdreg $0xC0  }
0xac: {  	_ =	task [dreg:s8], $0x5FFFF  }
0xad: {  	[dreg:$0x1] =	wrdreg $0xFFFFFFFF  }
0xae: {  	[dreg:$0x0] =	wrdreg $0x60  }
0xaf: {  	[dreg:$0x2] =	wrdreg s2  }
0xb0: {  	[dreg:$0x3] =	wrdreg s24  }
0xb1: {  	[dreg:$0x4] =	wrdreg s18  }
0xb2: {  	[dreg:$0x5] =	wrdreg $0xC0000  }
0xb3: {  	[dreg:$0x6] =	wrdreg $0x9  }
0xb4: {  	_ =	task.clear_ibuf [dreg:s8], $0x7FFFF;
	_ =	strace $0x90000046  }
0xb5: {  	s29 =	simm.s32 $0x9;
	_ =	strace $0x80000048  }
0xb6: {  	_ =	swait.ge [sflag:s29], $0x1  }
0xb7: {  	[sflag:s29] =	ssyncadd.s32 $0xFFFFFFFF  }
0xb8: {  	_ =	strace $0x90000048  }
0xb9: {  	_ =	sfence  }
0xba: {  	s30 =	sld [smem:$0x0];
	_ =	sdelay $0x2  }
0xbb: {  	s31 =	sshll.u32 s1, $0xD;
	s1 =	sshrl.u32 s1, $0x2  }
0xbc: {  	s3 =	sand.u32 $0x4000, s31;
	s1 =	sadd.s32 s1, s30  }
0xbd: {  	s0 =	sor.u32 s3, s0;
	s1 =	sshll.u32 s1, $0x11  }
0xbe: {  	s0 =	sor.u32 s1, s0  }
0xbf: {  	s0 =	sadd.s32 $0x8F2B, s0  }
0xc0: {  	[sflag:s0] =	ssyncadd.remote.s32 $0x1  }
0xc1: {  	_ =	sfence.sel $0xFFFF  }
0xc2: {  	[dreg:$0x0] =	wrdreg $0xFFFFFFFF;
	(pc) =	sbr.abs _section_cstart, $3  }
0xc3: {  	[dreg:$0x1] =	wrdreg $0xFFFFFFFF  }
0xc4: {  	_ =	task.clear_ibuf [dreg:s8], $0x2FFFF;
	_ =	strace $0x9FFFFFFF  }
0xc5: {  	(tm) =	ssettm $0x7FFFFFFF  }
tec
execute0_lowered:
.L_overlay_start_1:
0x0: {  	(tag) =	ssettag $0x1  }
0x1: {  	s1 =	rddreg [dreg:$0x0]  }
0x2: {  	s0 =	rddreg [dreg:$0x1]  }
0x3: {  	s5 =	rddreg [dreg:$0x2]  }
0x4: {  	s2 =	rddreg [dreg:$0x3]  }
0x5: {  	s4 =	srdreg.scid;
	s6 =	stileid.u32;
	s3 =	simm.s32 $0x0  }
0x6: {  	s28 =	simm.s32 $0x7000;
	s29 =	simm.s32 $0x1;
	s14 =	smul.u32 $0x4E000, s6  }
0x7: {  	s31 =	simm.s32 $0x9800;
	s30 =	simm.s32 $0x1B80;
	s10 =	smul.u32 $0x2700, s6  }
0x8: {  	s7 =	sand.u32 $0x1, s4;
	s13 =	sshll.u32 s6, $0x1;
	s17 =	smul.u32 $0x13800, s6  }
0x9: {  	[smem:$0x7FF] =	sst s3;
	s18 =	smul.u32 $0xA000, s6;
	s19 =	sadd.s32 $0x27000, s1  }
0xa: {  	s25 =	sshll.u32 s6, $0x6;
	p1 =	sne.s32 s6, $0x0;
	s6 =	simm.s32 $0x6  }
0xb: {  	s4 =	sor.u32 s7, s13;
	_ =	strace $0x80000047;
	s15 =	smul.u32 $0x138800, s7  }
0xc: {  	s9 =	ssub.s32 $0x2, s7;
	p0 =	seq.s32 s7, $0x1;
	s7 =	smul.u32 $0x5000, s7  }
0xd: {  	s13 =	sadd.s32 $0x138000, s2;
	[dreg:$0xa] =	wrdreg s19;
	s19 =	simm.s32 $0x1A80  }
0xe: {  	s8 =	smul.u32 $0x5000, s4;
	s4 =	sadd.s32 $0x1000, s0;
	s0 =	sadd.s32 $0x29000, s0  }
0xf: {  	s11 =	sshrl.u32 s9, $0x1;
	s10 =	sadd.s32 s1, s10;
	[dreg:$0x9] =	wrdreg s13  }
0x10: {  	s26 =	sshrl.u32 s13, $0x3;
	s13 =	simm.s32 $0xB00;
	[dreg:$0x5] =	wrdreg s0  }
0x11: {  	s9 =	ssub.s32 s9, s11;
	s0 =	sshrl.u32 s14, $0x2;
	[dreg:$0x8] =	wrdreg s10  }
0x12: {  	s20 =	sadd.s32 s17, s15;
	s7 =	sadd.s32 s7, s18;
	[dreg:$0x11] =	wrdreg s26  }
0x13: {  	s17 =	simm.s32 $0x8;
	s18 =	simm.s32 $0xB80;
	s26 =	simm.s32 $0x1B00  }
0x14: {  	s11 =	simm.s32 $0x0;
	s8 =	sshrl.u32 s8, $0x3;
	s0 =	sadd.s32 s0, s2  }
0x15: {  	s10 =	sshrl.u32 s20, $0x3;
	s21 =	sadd.s32 $0xA1000, s7;
	s22 =	smax.u32 s9, $0x1  }
0x16: {  	s24 =	sadd.s32 $0x1000, s7;
	s20 =	simm.s32 $0x5;
	s9 =	simm.s32 $0x7  }
0x17: {  	s12 =	sadd.s32 s4, s8;
	s8 =	sshrl.u32 s15, $0x3;
	[dreg:$0xd] =	wrdreg s22  }
0x18: {  	s10 =	sadd.s32 s5, s10;
	s23 =	sshrl.u32 s21, $0x3;
	[dreg:$0xe] =	wrdreg s24  }
0x19: {  	s0 =	sshrl.u32 s0, $0x3;
	s21 =	simm.s32 $0x9;
	s22 =	simm.s32 $0x50  }
0x1a: {  	s15 =	simm.s32 $0x1A00;
	s24 =	simm.s32 $0xC00;
	[dreg:$0x6] =	wrdreg s12  }
0x1b: {  	s16 =	sadd.s32 $0x14000, s12;
	[dreg:$0xb] =	wrdreg s10;
	s5 =	sadd.s32 s5, s8  }
.Ltmp0:
0x1c: {  	s14 =	sadd.s32 s23, s4;
	[dreg:$0x10] =	wrdreg s0;
	(pc) =	sbr.rel .LBB2_1-.Ltmp0, $4  }
0x1d: {  	s23 =	simm.s32 $0x2000;
	s0 =	simm.s32 $0x2;
	s12 =	simm.s32 $0x4  }
0x1e: {  	s10 =	simm.s32 $0x1C00;
	[dreg:$0x7] =	wrdreg s16;
	s5 =	sadd.s32 $0x27000, s5  }
0x1f: {  	s16 =	simm.s32 $0x1000;
	[dreg:$0xc] =	wrdreg s5;
	s5 =	sor.u32 $0x1C0A, s25  }
0x20: {  	s25 =	simm.s32 $0x4800;
	[dreg:$0xf] =	wrdreg s5;
	s5 =	simm.s32 $0x3  }
.LBB2_10:
0x21: {  	[bflag:$0x0] =	sbarrier.arrive $0xFFFF  }
0x22: {  	s7 =	rddreg [dreg:$0xb]  }
0x23: {  	s11 =	rddreg [dreg:$0xf]  }
0x24: {  	s8 =	rddreg [dreg:$0x10]  }
0x25: {  	[hbm:s7], [sflag:s11] =	dma.local [spmem:s8], $0x2700  }
0x26: {  	s8 =	simm.s32 $0xA  }
0x27: {  	_ =	swait.ge [sflag:s8], $0x2700  }
0x28: {  	[sflag:s8] =	ssyncset.done $0x0;
	s7 =	rddreg [dreg:$0x9]  }
0x29: {  	[sflag:s8] =	ssyncadd.s32 $0xFFFFD900;
	s7 =	sshrl.u32 @!p1 s7, $0x3;
	s8 =	rddreg [dreg:$0xc]  }
0x2a: {  	[hbm:s8], [sflag:s11] =	dma.local @!p1 [spmem:s7], $0x100  }
0x2b: {  	s7 =	simm.s32 @!p1 $0xA  }
0x2c: {  	_ =	swait.ge @!p1 [sflag:s7], $0x100  }
0x2d: {  	s8 =	rddreg [dreg:$0x12]  }
0x2e: {  	s11 =	sadd.s32 $0x1, s8;
	s8 =	rddreg [dreg:$0xd]  }
0x2f: {  	p2 =	sne.s32 s11, s8  }
.Ltmp1:
0x30: {  	_ = 	snop;
	(pc) =	sbr.rel @!p2 .LBB2_11-.Ltmp1, $3  }
0x31: {  	_ =	sdelay $0x1  }
0x32: {  	[sflag:s7] =	ssyncset.done @!p1 $0x0  }
0x33: {  	[sflag:s7] =	ssyncadd.s32 @!p1 $0xFFFFFF00  }
.LBB2_1:
.Ltmp2:
0x34: {  	[dreg:$0x12] =	wrdreg s11;
	(pc) =	sbr.rel @!p0 .LBB2_2-.Ltmp2, $4  }
0x35: {  	s7 =	rddreg [dreg:$0x6]  }
0x36: {  	[tilespmem:s3], [sflag:$0x9] =	stream.linear.gather [hbm4b:s7+s3], $0xC80, $0x38;
	[tilespmem:$0x1F880] =	vst v63  }
0x37: {  	s11 =	rddreg [dreg:$0x7]  }
0x38: {  	[tilespmem:s16], [sflag:$0x9] =	stream.linear.gather [hbm4b:s11+s3], $0xC80, $0x38;
	[tilespmem:$0x1F880] =	vst v63  }
0x39: {  	s7 =	rddreg [dreg:$0x5]  }
0x3a: {  	s8 =	rddreg [dreg:$0xf]  }
0x3b: {  	s11 =	rddreg [dreg:$0x10]  }
0x3c: {  	[spmem:s11], [sflag:s8] =	dma.local [hbm:s7], $0x2700  }
.Ltmp3:
0x3d: {  	_ = 	snop;
	(pc) =	sbr.rel @p1 .LBB2_7-.Ltmp3, $4  }
0x3e: {  	s11 =	simm.s32 $0xA  }
0x3f: {  	_ =	swait.ge [sflag:s11], $0x2700  }
0x40: {  	[sflag:s11] =	ssyncset.done $0x0  }
0x41: {  	[sflag:s11] =	ssyncadd.s32 $0xFFFFD900  }
.Ltmp4:
0x42: {  	(pc) =	sbr.rel .LBB2_6-.Ltmp4, $4  }
0x43: {  	s7 =	rddreg [dreg:$0x5]  }
0x44: {  	s8 =	rddreg [dreg:$0xf]  }
0x45: {  	s11 =	rddreg [dreg:$0x11]  }
0x46: {  	[spmem:s11], [sflag:s8] =	dma.local [hbm:s7], $0x100  }
.LBB2_2:
0x47: {  	s7 =	rddreg [dreg:$0x8]  }
0x48: {  	s8 =	rddreg [dreg:$0xf]  }
0x49: {  	s11 =	rddreg [dreg:$0x10]  }
0x4a: {  	[spmem:s11], [sflag:s8] =	dma.local [hbm:s7], $0x2700  }
.Ltmp5:
0x4b: {  	_ = 	snop;
	(pc) =	sbr.rel @p1 .LBB2_7-.Ltmp5, $4  }
0x4c: {  	s11 =	simm.s32 $0xA  }
0x4d: {  	_ =	swait.ge [sflag:s11], $0x2700  }
0x4e: {  	[sflag:s11] =	ssyncset.done $0x0  }
0x4f: {  	[sflag:s11] =	ssyncadd.s32 $0xFFFFD900  }
0x50: {  	s7 =	rddreg [dreg:$0xa]  }
0x51: {  	s8 =	rddreg [dreg:$0xf]  }
0x52: {  	s11 =	rddreg [dreg:$0x11]  }
0x53: {  	[spmem:s11], [sflag:s8] =	dma.local [hbm:s7], $0x100  }
.LBB2_6:
0x54: {  	s7 =	simm.s32 $0xA  }
0x55: {  	_ =	swait.ge [sflag:s7], $0x100  }
0x56: {  	[sflag:s7] =	ssyncset.done $0x0  }
0x57: {  	[sflag:s7] =	ssyncadd.s32 $0xFFFFFF00  }
.LBB2_7:
0x58: {  	_ =	swait.ge [sflag:s21], $0xC80  }
0x59: {  	[sflag:s21] =	ssyncset.done $0x0  }
0x5a: {  	[sflag:s21] =	ssyncadd.s32 $0xFFFFF380  }
0x5b: {  	_ =	swait.ge [sflag:s21], $0xC80  }
0x5c: {  	[sflag:s21] =	ssyncset.done $0x0  }
0x5d: {  	s8 =	simm.s32 $0x0;
	[sflag:s21] =	ssyncadd.s32 $0xFFFFF380  }
0x5e: {  	[tilespmem:s23], [sflag:$0x1] =	stream.indirect.gather [hbm4b:s1+s22], $0x80, s8, s22, $0xb8;
	[tilespmem:$0x1F880] =	vst v63  }
0x5f: {  	s7 =	simm.s32 $0x80  }
0x60: {  	[tilespmem:s25], [sflag:$0x2] =	stream.indirect.gather [hbm4b:s1+s22], $0x80, s7, s22, $0xb8;
	[tilespmem:$0x1F880] =	vst v63  }
0x61: {  	s11 =	simm.s32 $0x100  }
0x62: {  	[tilespmem:s28], [sflag:$0x3] =	stream.indirect.gather [hbm4b:s1+s22], $0x80, s11, s22, $0xb8;
	[tilespmem:$0x1F880] =	vst v63  }
0x63: {  	[bflag:$0x0] =	sbarrier.arrive $0xFFFF  }
0x64: {  	s7 =	rddreg [dreg:$0xe]  }
.LBB2_8:
0x65: {  	_ =	swait.ge [sflag:s29], $0x2800  }
0x66: {  	[sflag:s29] =	ssyncset.done $0x0  }
0x67: {  	[sflag:s29] =	ssyncadd.s32 $0xFFFFD800  }
0x68: {  	[spmem:s2] =	stream.indirect.scatter.add.f32 [tilespmem:s23], [sflag:$0x5], $0x80, s16, s22, $0xb8;
	[tilespmem:$0x1F880] =	vst v63  }
0x69: {  	s11 =	simm.s32 $0x180  }
0x6a: {  	[tilespmem:s31], [sflag:$0x4] =	stream.indirect.gather [hbm4b:s1+s22], $0x80, s11, s22, $0xb8;
	[tilespmem:$0x1F880] =	vst v63  }
0x6b: {  	_ =	swait.ge [sflag:s0], $0x2800  }
0x6c: {  	[sflag:s0] =	ssyncset.done $0x0  }
0x6d: {  	s11 =	simm.s32 $0x1080;
	[sflag:s0] =	ssyncadd.s32 $0xFFFFD800  }
0x6e: {  	[spmem:s2] =	stream.indirect.scatter.add.f32 [tilespmem:s25], [sflag:$0x6], $0x80, s11, s22, $0xb8;
	[tilespmem:$0x1F880] =	vst v63  }
0x6f: {  	_ =	swait.ge [sflag:s20], $0x2800  }
0x70: {  	[sflag:s20] =	ssyncset.done $0x0  }
0x71: {  	s11 =	simm.s32 $0x200;
	[sflag:s20] =	ssyncadd.s32 $0xFFFFD800  }
0x72: {  	[tilespmem:s23], [sflag:$0x1] =	stream.indirect.gather [hbm4b:s1+s22], $0x80, s11, s22, $0xb8;
	[tilespmem:$0x1F880] =	vst v63  }
0x73: {  	_ =	swait.ge [sflag:s5], $0x2800  }
0x74: {  	[sflag:s5] =	ssyncset.done $0x0  }
0x75: {  	s11 =	simm.s32 $0x1100;
	[sflag:s5] =	ssyncadd.s32 $0xFFFFD800  }
0x76: {  	[spmem:s2] =	stream.indirect.scatter.add.f32 [tilespmem:s28], [sflag:$0x7], $0x80, s11, s22, $0xb8;
	[tilespmem:$0x1F880] =	vst v63  }
0x77: {  	_ =	swait.ge [sflag:s6], $0x2800  }
0x78: {  	[sflag:s6] =	ssyncset.done $0x0  }
0x79: {  	s11 =	simm.s32 $0x280;
	[sflag:s6] =	ssyncadd.s32 $0xFFFFD800  }
0x7a: {  	[tilespmem:s25], [sflag:$0x2] =	stream.indirect.gather [hbm4b:s1+s22], $0x80, s11, s22, $0xb8;
	[tilespmem:$0x1F880] =	vst v63  }
0x7b: {  	_ =	swait.ge [sflag:s12], $0x2800  }
0x7c: {  	[sflag:s12] =	ssyncset.done $0x0  }
0x7d: {  	s11 =	simm.s32 $0x1180;
	[sflag:s12] =	ssyncadd.s32 $0xFFFFD800  }
0x7e: {  	[spmem:s2] =	stream.indirect.scatter.add.f32 [tilespmem:s31], [sflag:$0x8], $0x80, s11, s22, $0xb8;
	[tilespmem:$0x1F880] =	vst v63  }
0x7f: {  	_ =	swait.ge [sflag:s9], $0x2800  }
0x80: {  	[sflag:s9] =	ssyncset.done $0x0  }
0x81: {  	s11 =	simm.s32 $0x300;
	[sflag:s9] =	ssyncadd.s32 $0xFFFFD800  }
0x82: {  	[tilespmem:s28], [sflag:$0x3] =	stream.indirect.gather [hbm4b:s1+s22], $0x80, s11, s22, $0xb8;
	[tilespmem:$0x1F880] =	vst v63  }
0x83: {  	_ =	swait.ge [sflag:s29], $0x2800  }
0x84: {  	[sflag:s29] =	ssyncset.done $0x0  }
0x85: {  	s11 =	simm.s32 $0x1200;
	[sflag:s29] =	ssyncadd.s32 $0xFFFFD800  }
0x86: {  	[spmem:s2] =	stream.indirect.scatter.add.f32 [tilespmem:s23], [sflag:$0x5], $0x80, s11, s22, $0xb8;
	[tilespmem:$0x1F880] =	vst v63  }
0x87: {  	_ =	swait.ge [sflag:s17], $0x2800  }
0x88: {  	[sflag:s17] =	ssyncset.done $0x0  }
0x89: {  	s11 =	simm.s32 $0x380;
	[sflag:s17] =	ssyncadd.s32 $0xFFFFD800  }
0x8a: {  	[tilespmem:s31], [sflag:$0x4] =	stream.indirect.gather [hbm4b:s1+s22], $0x80, s11, s22, $0xb8;
	[tilespmem:$0x1F880] =	vst v63  }
0x8b: {  	_ =	swait.ge [sflag:s0], $0x2800  }
0x8c: {  	[sflag:s0] =	ssyncset.done $0x0  }
0x8d: {  	s11 =	simm.s32 $0x1280;
	[sflag:s0] =	ssyncadd.s32 $0xFFFFD800  }
0x8e: {  	[spmem:s2] =	stream.indirect.scatter.add.f32 [tilespmem:s25], [sflag:$0x6], $0x80, s11, s22, $0xb8;
	[tilespmem:$0x1F880] =	vst v63  }
0x8f: {  	_ =	swait.ge [sflag:s20], $0x2800  }
0x90: {  	[sflag:s20] =	ssyncset.done $0x0  }
0x91: {  	s11 =	simm.s32 $0x400;
	[sflag:s20] =	ssyncadd.s32 $0xFFFFD800  }
0x92: {  	[tilespmem:s23], [sflag:$0x1] =	stream.indirect.gather [hbm4b:s1+s22], $0x80, s11, s22, $0xb8;
	[tilespmem:$0x1F880] =	vst v63  }
0x93: {  	_ =	swait.ge [sflag:s5], $0x2800  }
0x94: {  	[sflag:s5] =	ssyncset.done $0x0  }
0x95: {  	s11 =	simm.s32 $0x1300;
	[sflag:s5] =	ssyncadd.s32 $0xFFFFD800  }
0x96: {  	[spmem:s2] =	stream.indirect.scatter.add.f32 [tilespmem:s28], [sflag:$0x7], $0x80, s11, s22, $0xb8;
	[tilespmem:$0x1F880] =	vst v63  }
0x97: {  	_ =	swait.ge [sflag:s6], $0x2800  }
0x98: {  	[sflag:s6] =	ssyncset.done $0x0  }
0x99: {  	s11 =	simm.s32 $0x480;
	[sflag:s6] =	ssyncadd.s32 $0xFFFFD800  }
0x9a: {  	[tilespmem:s25], [sflag:$0x2] =	stream.indirect.gather [hbm4b:s1+s22], $0x80, s11, s22, $0xb8;
	[tilespmem:$0x1F880] =	vst v63  }
0x9b: {  	_ =	swait.ge [sflag:s12], $0x2800  }
0x9c: {  	[sflag:s12] =	ssyncset.done $0x0  }
0x9d: {  	s11 =	simm.s32 $0x1380;
	[sflag:s12] =	ssyncadd.s32 $0xFFFFD800  }
0x9e: {  	[spmem:s2] =	stream.indirect.scatter.add.f32 [tilespmem:s31], [sflag:$0x8], $0x80, s11, s22, $0xb8;
	[tilespmem:$0x1F880] =	vst v63  }
0x9f: {  	_ =	swait.ge [sflag:s9], $0x2800  }
0xa0: {  	[sflag:s9] =	ssyncset.done $0x0  }
0xa1: {  	s11 =	simm.s32 $0x500;
	[sflag:s9] =	ssyncadd.s32 $0xFFFFD800  }
0xa2: {  	[tilespmem:s28], [sflag:$0x3] =	stream.indirect.gather [hbm4b:s1+s22], $0x80, s11, s22, $0xb8;
	[tilespmem:$0x1F880] =	vst v63  }
0xa3: {  	_ =	swait.ge [sflag:s29], $0x2800  }
0xa4: {  	[sflag:s29] =	ssyncset.done $0x0  }
0xa5: {  	s11 =	simm.s32 $0x1400;
	[sflag:s29] =	ssyncadd.s32 $0xFFFFD800  }
0xa6: {  	[spmem:s2] =	stream.indirect.scatter.add.f32 [tilespmem:s23], [sflag:$0x5], $0x80, s11, s22, $0xb8;
	[tilespmem:$0x1F880] =	vst v63  }
0xa7: {  	_ =	swait.ge [sflag:s17], $0x2800  }
0xa8: {  	[sflag:s17] =	ssyncset.done $0x0  }
0xa9: {  	s11 =	simm.s32 $0x580;
	[sflag:s17] =	ssyncadd.s32 $0xFFFFD800  }
0xaa: {  	[tilespmem:s31], [sflag:$0x4] =	stream.indirect.gather [hbm4b:s1+s22], $0x80, s11, s22, $0xb8;
	[tilespmem:$0x1F880] =	vst v63  }
0xab: {  	_ =	swait.ge [sflag:s0], $0x2800  }
0xac: {  	[sflag:s0] =	ssyncset.done $0x0  }
0xad: {  	s11 =	simm.s32 $0x1480;
	[sflag:s0] =	ssyncadd.s32 $0xFFFFD800  }
0xae: {  	[spmem:s2] =	stream.indirect.scatter.add.f32 [tilespmem:s25], [sflag:$0x6], $0x80, s11, s22, $0xb8;
	[tilespmem:$0x1F880] =	vst v63  }
0xaf: {  	_ =	swait.ge [sflag:s20], $0x2800  }
0xb0: {  	[sflag:s20] =	ssyncset.done $0x0  }
0xb1: {  	s11 =	simm.s32 $0x600;
	[sflag:s20] =	ssyncadd.s32 $0xFFFFD800  }
0xb2: {  	[tilespmem:s23], [sflag:$0x1] =	stream.indirect.gather [hbm4b:s1+s22], $0x80, s11, s22, $0xb8;
	[tilespmem:$0x1F880] =	vst v63  }
0xb3: {  	_ =	swait.ge [sflag:s5], $0x2800  }
0xb4: {  	[sflag:s5] =	ssyncset.done $0x0  }
0xb5: {  	s11 =	simm.s32 $0x1500;
	[sflag:s5] =	ssyncadd.s32 $0xFFFFD800  }
0xb6: {  	[spmem:s2] =	stream.indirect.scatter.add.f32 [tilespmem:s28], [sflag:$0x7], $0x80, s11, s22, $0xb8;
	[tilespmem:$0x1F880] =	vst v63  }
0xb7: {  	_ =	swait.ge [sflag:s6], $0x2800  }
0xb8: {  	[sflag:s6] =	ssyncset.done $0x0  }
0xb9: {  	s11 =	simm.s32 $0x680;
	[sflag:s6] =	ssyncadd.s32 $0xFFFFD800  }
0xba: {  	[tilespmem:s25], [sflag:$0x2] =	stream.indirect.gather [hbm4b:s1+s22], $0x80, s11, s22, $0xb8;
	[tilespmem:$0x1F880] =	vst v63  }
0xbb: {  	_ =	swait.ge [sflag:s12], $0x2800  }
0xbc: {  	[sflag:s12] =	ssyncset.done $0x0  }
0xbd: {  	s11 =	simm.s32 $0x1580;
	[sflag:s12] =	ssyncadd.s32 $0xFFFFD800  }
0xbe: {  	[spmem:s2] =	stream.indirect.scatter.add.f32 [tilespmem:s31], [sflag:$0x8], $0x80, s11, s22, $0xb8;
	[tilespmem:$0x1F880] =	vst v63  }
0xbf: {  	_ =	swait.ge [sflag:s9], $0x2800  }
0xc0: {  	[sflag:s9] =	ssyncset.done $0x0  }
0xc1: {  	s11 =	simm.s32 $0x700;
	[sflag:s9] =	ssyncadd.s32 $0xFFFFD800  }
0xc2: {  	[tilespmem:s28], [sflag:$0x3] =	stream.indirect.gather [hbm4b:s1+s22], $0x80, s11, s22, $0xb8;
	[tilespmem:$0x1F880] =	vst v63  }
0xc3: {  	_ =	swait.ge [sflag:s29], $0x2800  }
0xc4: {  	[sflag:s29] =	ssyncset.done $0x0  }
0xc5: {  	s11 =	simm.s32 $0x1600;
	[sflag:s29] =	ssyncadd.s32 $0xFFFFD800  }
0xc6: {  	[spmem:s2] =	stream.indirect.scatter.add.f32 [tilespmem:s23], [sflag:$0x5], $0x80, s11, s22, $0xb8;
	[tilespmem:$0x1F880] =	vst v63  }
0xc7: {  	_ =	swait.ge [sflag:s17], $0x2800  }
0xc8: {  	[sflag:s17] =	ssyncset.done $0x0  }
0xc9: {  	s11 =	simm.s32 $0x780;
	[sflag:s17] =	ssyncadd.s32 $0xFFFFD800  }
0xca: {  	[tilespmem:s31], [sflag:$0x4] =	stream.indirect.gather [hbm4b:s1+s22], $0x80, s11, s22, $0xb8;
	[tilespmem:$0x1F880] =	vst v63  }
0xcb: {  	_ =	swait.ge [sflag:s0], $0x2800  }
0xcc: {  	[sflag:s0] =	ssyncset.done $0x0  }
0xcd: {  	s11 =	simm.s32 $0x1680;
	[sflag:s0] =	ssyncadd.s32 $0xFFFFD800  }
0xce: {  	[spmem:s2] =	stream.indirect.scatter.add.f32 [tilespmem:s25], [sflag:$0x6], $0x80, s11, s22, $0xb8;
	[tilespmem:$0x1F880] =	vst v63  }
0xcf: {  	_ =	swait.ge [sflag:s20], $0x2800  }
0xd0: {  	[sflag:s20] =	ssyncset.done $0x0  }
0xd1: {  	s11 =	simm.s32 $0x800;
	[sflag:s20] =	ssyncadd.s32 $0xFFFFD800  }
0xd2: {  	[tilespmem:s23], [sflag:$0x1] =	stream.indirect.gather [hbm4b:s1+s22], $0x80, s11, s22, $0xb8;
	[tilespmem:$0x1F880] =	vst v63  }
0xd3: {  	_ =	swait.ge [sflag:s5], $0x2800  }
0xd4: {  	[sflag:s5] =	ssyncset.done $0x0  }
0xd5: {  	s11 =	simm.s32 $0x1700;
	[sflag:s5] =	ssyncadd.s32 $0xFFFFD800  }
0xd6: {  	[spmem:s2] =	stream.indirect.scatter.add.f32 [tilespmem:s28], [sflag:$0x7], $0x80, s11, s22, $0xb8;
	[tilespmem:$0x1F880] =	vst v63  }
0xd7: {  	_ =	swait.ge [sflag:s6], $0x2800  }
0xd8: {  	[sflag:s6] =	ssyncset.done $0x0  }
0xd9: {  	s11 =	simm.s32 $0x880;
	[sflag:s6] =	ssyncadd.s32 $0xFFFFD800  }
0xda: {  	[tilespmem:s25], [sflag:$0x2] =	stream.indirect.gather [hbm4b:s1+s22], $0x80, s11, s22, $0xb8;
	[tilespmem:$0x1F880] =	vst v63  }
0xdb: {  	_ =	swait.ge [sflag:s12], $0x2800  }
0xdc: {  	[sflag:s12] =	ssyncset.done $0x0  }
0xdd: {  	s11 =	simm.s32 $0x1780;
	[sflag:s12] =	ssyncadd.s32 $0xFFFFD800  }
0xde: {  	[spmem:s2] =	stream.indirect.scatter.add.f32 [tilespmem:s31], [sflag:$0x8], $0x80, s11, s22, $0xb8;
	[tilespmem:$0x1F880] =	vst v63  }
0xdf: {  	_ =	swait.ge [sflag:s9], $0x2800  }
0xe0: {  	[sflag:s9] =	ssyncset.done $0x0  }
0xe1: {  	s11 =	simm.s32 $0x900;
	[sflag:s9] =	ssyncadd.s32 $0xFFFFD800  }
0xe2: {  	[tilespmem:s28], [sflag:$0x3] =	stream.indirect.gather [hbm4b:s1+s22], $0x80, s11, s22, $0xb8;
	[tilespmem:$0x1F880] =	vst v63  }
0xe3: {  	_ =	swait.ge [sflag:s29], $0x2800  }
0xe4: {  	[sflag:s29] =	ssyncset.done $0x0  }
0xe5: {  	s11 =	simm.s32 $0x1800;
	[sflag:s29] =	ssyncadd.s32 $0xFFFFD800  }
0xe6: {  	[spmem:s2] =	stream.indirect.scatter.add.f32 [tilespmem:s23], [sflag:$0x5], $0x80, s11, s22, $0xb8;
	[tilespmem:$0x1F880] =	vst v63  }
0xe7: {  	_ =	swait.ge [sflag:s17], $0x2800  }
0xe8: {  	[sflag:s17] =	ssyncset.done $0x0  }
0xe9: {  	s11 =	simm.s32 $0x980;
	[sflag:s17] =	ssyncadd.s32 $0xFFFFD800  }
0xea: {  	[tilespmem:s31], [sflag:$0x4] =	stream.indirect.gather [hbm4b:s1+s22], $0x80, s11, s22, $0xb8;
	[tilespmem:$0x1F880] =	vst v63  }
0xeb: {  	_ =	swait.ge [sflag:s0], $0x2800  }
0xec: {  	[sflag:s0] =	ssyncset.done $0x0  }
0xed: {  	s11 =	simm.s32 $0x1880;
	[sflag:s0] =	ssyncadd.s32 $0xFFFFD800  }
0xee: {  	[spmem:s2] =	stream.indirect.scatter.add.f32 [tilespmem:s25], [sflag:$0x6], $0x80, s11, s22, $0xb8;
	[tilespmem:$0x1F880] =	vst v63  }
0xef: {  	_ =	swait.ge [sflag:s20], $0x2800  }
0xf0: {  	[sflag:s20] =	ssyncset.done $0x0  }
0xf1: {  	s11 =	simm.s32 $0xA00;
	[sflag:s20] =	ssyncadd.s32 $0xFFFFD800  }
0xf2: {  	[tilespmem:s23], [sflag:$0x1] =	stream.indirect.gather [hbm4b:s1+s22], $0x80, s11, s22, $0xb8;
	[tilespmem:$0x1F880] =	vst v63  }
0xf3: {  	_ =	swait.ge [sflag:s5], $0x2800  }
0xf4: {  	[sflag:s5] =	ssyncset.done $0x0  }
0xf5: {  	s11 =	simm.s32 $0x1900;
	[sflag:s5] =	ssyncadd.s32 $0xFFFFD800  }
0xf6: {  	[spmem:s2] =	stream.indirect.scatter.add.f32 [tilespmem:s28], [sflag:$0x7], $0x80, s11, s22, $0xb8;
	[tilespmem:$0x1F880] =	vst v63  }
0xf7: {  	_ =	swait.ge [sflag:s6], $0x2800  }
0xf8: {  	[sflag:s6] =	ssyncset.done $0x0  }
0xf9: {  	s11 =	simm.s32 $0xA80;
	[sflag:s6] =	ssyncadd.s32 $0xFFFFD800  }
0xfa: {  	[tilespmem:s25], [sflag:$0x2] =	stream.indirect.gather [hbm4b:s1+s22], $0x80, s11, s22, $0xb8;
	[tilespmem:$0x1F880] =	vst v63  }
0xfb: {  	_ =	swait.ge [sflag:s12], $0x2800  }
0xfc: {  	[sflag:s12] =	ssyncset.done $0x0  }
0xfd: {  	s11 =	simm.s32 $0x1980;
	[sflag:s12] =	ssyncadd.s32 $0xFFFFD800  }
0xfe: {  	[spmem:s2] =	stream.indirect.scatter.add.f32 [tilespmem:s31], [sflag:$0x8], $0x80, s11, s22, $0xb8;
	[tilespmem:$0x1F880] =	vst v63  }
0xff: {  	_ =	swait.ge [sflag:s9], $0x2800  }
0x100: {  	[sflag:s9] =	ssyncset.done $0x0  }
0x101: {  	[sflag:s9] =	ssyncadd.s32 $0xFFFFD800  }
0x102: {  	[tilespmem:s28], [sflag:$0x3] =	stream.indirect.gather [hbm4b:s1+s22], $0x80, s13, s22, $0xb8;
	[tilespmem:$0x1F880] =	vst v63  }
0x103: {  	_ =	swait.ge [sflag:s29], $0x2800  }
0x104: {  	[sflag:s29] =	ssyncset.done $0x0  }
0x105: {  	[sflag:s29] =	ssyncadd.s32 $0xFFFFD800  }
0x106: {  	[spmem:s2] =	stream.indirect.scatter.add.f32 [tilespmem:s23], [sflag:$0x5], $0x80, s15, s22, $0xb8;
	[tilespmem:$0x1F880] =	vst v63  }
0x107: {  	_ =	swait.ge [sflag:s17], $0x2800  }
0x108: {  	[sflag:s17] =	ssyncset.done $0x0  }
0x109: {  	[sflag:s17] =	ssyncadd.s32 $0xFFFFD800  }
0x10a: {  	[tilespmem:s31], [sflag:$0x4] =	stream.indirect.gather [hbm4b:s1+s22], $0x80, s18, s22, $0xb8;
	[tilespmem:$0x1F880] =	vst v63  }
0x10b: {  	_ =	swait.ge [sflag:s0], $0x2800  }
0x10c: {  	[sflag:s0] =	ssyncset.done $0x0  }
0x10d: {  	[sflag:s0] =	ssyncadd.s32 $0xFFFFD800  }
0x10e: {  	[spmem:s2] =	stream.indirect.scatter.add.f32 [tilespmem:s25], [sflag:$0x6], $0x80, s19, s22, $0xb8;
	[tilespmem:$0x1F880] =	vst v63  }
0x10f: {  	_ =	swait.ge [sflag:s20], $0x2800  }
0x110: {  	[sflag:s20] =	ssyncset.done $0x0  }
0x111: {  	[sflag:s20] =	ssyncadd.s32 $0xFFFFD800  }
0x112: {  	[tilespmem:s23], [sflag:$0x1] =	stream.indirect.gather [hbm4b:s1+s22], $0x80, s24, s22, $0xb8;
	[tilespmem:$0x1F880] =	vst v63  }
0x113: {  	_ =	swait.ge [sflag:s5], $0x2800  }
0x114: {  	[sflag:s5] =	ssyncset.done $0x0  }
0x115: {  	[sflag:s5] =	ssyncadd.s32 $0xFFFFD800  }
0x116: {  	[spmem:s2] =	stream.indirect.scatter.add.f32 [tilespmem:s28], [sflag:$0x7], $0x80, s26, s22, $0xb8;
	[tilespmem:$0x1F880] =	vst v63  }
0x117: {  	_ =	swait.ge [sflag:s12], $0x2800  }
0x118: {  	[sflag:s12] =	ssyncset.done $0x0  }
0x119: {  	[sflag:s12] =	ssyncadd.s32 $0xFFFFD800  }
0x11a: {  	[spmem:s2] =	stream.indirect.scatter.add.f32 [tilespmem:s31], [sflag:$0x8], $0x80, s30, s22, $0xb8;
	[tilespmem:$0x1F880] =	vst v63  }
0x11b: {  	_ =	swait.ge [sflag:s29], $0x2800  }
0x11c: {  	[sflag:s29] =	ssyncset.done $0x0  }
0x11d: {  	[sflag:s29] =	ssyncadd.s32 $0xFFFFD800  }
0x11e: {  	[spmem:s2] =	stream.indirect.scatter.add.f32 [tilespmem:s23], [sflag:$0x5], $0x80, s10, s22, $0xb8;
	[tilespmem:$0x1F880] =	vst v63  }
0x11f: {  	_ =	swait.ge [sflag:s20], $0x2800  }
0x120: {  	[sflag:s20] =	ssyncset.done $0x0  }
0x121: {  	[sflag:s20] =	ssyncadd.s32 $0xFFFFD800  }
0x122: {  	_ =	swait.ge [sflag:s6], $0x2800  }
0x123: {  	[sflag:s6] =	ssyncset.done $0x0  }
0x124: {  	[sflag:s6] =	ssyncadd.s32 $0xFFFFD800  }
0x125: {  	p2 =	seq.s32 s8, $0x800;
	_ =	swait.ge [sflag:s9], $0x2800  }
.Ltmp6:
0x126: {  	[sflag:s9] =	ssyncset.done $0x0;
	(pc) =	sbr.rel @p2 .LBB2_10-.Ltmp6, $4  }
0x127: {  	[sflag:s9] =	ssyncadd.s32 $0xFFFFD800  }
0x128: {  	_ =	swait.ge [sflag:s17], $0x2800  }
0x129: {  	[sflag:s17] =	ssyncset.done $0x0  }
0x12a: {  	[sflag:s17] =	ssyncadd.s32 $0xFFFFD800  }
0x12b: {  	s11 =	sshrl.u32 s7, $0x3  }
0x12c: {  	s11 =	sadd.s32 s4, s11  }
0x12d: {  	[tilespmem:s3], [sflag:$0x9] =	stream.linear.gather [hbm4b:s11+s3], $0xC80, $0x38;
	[tilespmem:$0x1F880] =	vst v63  }
0x12e: {  	s11 =	sadd.s32 s8, s14  }
0x12f: {  	[tilespmem:s16], [sflag:$0x9] =	stream.linear.gather [hbm4b:s11+s3], $0xC80, $0x38;
	[tilespmem:$0x1F880] =	vst v63  }
0x130: {  	_ =	swait.ge [sflag:s21], $0xC80  }
0x131: {  	[sflag:s21] =	ssyncset.done $0x0  }
0x132: {  	[sflag:s21] =	ssyncadd.s32 $0xFFFFF380  }
0x133: {  	_ =	swait.ge [sflag:s21], $0xC80  }
0x134: {  	[sflag:s21] =	ssyncset.done $0x0  }
0x135: {  	[sflag:s21] =	ssyncadd.s32 $0xFFFFF380  }
0x136: {  	[tilespmem:s23], [sflag:$0x1] =	stream.indirect.gather [hbm4b:s1+s22], $0x80, s3, s22, $0xb8;
	[tilespmem:$0x1F880] =	vst v63  }
.Ltmp7:
0x137: {  	_ = 	snop;
	(pc) =	sbr.rel .LBB2_8-.Ltmp7, $4  }
0x138: {  	s11 =	simm.s32 $0x80  }
0x139: {  	[tilespmem:s25], [sflag:$0x2] =	stream.indirect.gather [hbm4b:s1+s22], $0x80, s11, s22, $0xb8;
	[tilespmem:$0x1F880] =	vst v63  }
0x13a: {  	s7 =	sadd.s32 $0x1000, s7;
	s8 =	sadd.s32 $0x200, s8;
	s11 =	simm.s32 $0x100  }
0x13b: {  	[tilespmem:s28], [sflag:$0x3] =	stream.indirect.gather [hbm4b:s1+s22], $0x80, s11, s22, $0xb8;
	[tilespmem:$0x1F880] =	vst v63  }
.LBB2_11:
0x13c: {  	_ =	sfence.sel $0x180000  }
0x13d: {  	[bflag:$0x0] =	sbarrier.arrive $0xFFFF  }
0x13e: {  	_ =	strace $0x90000047  }
0x13f: {  	[bflag:$0x2] =	sbarrier.arrive $0xFFFF  }
0x140: {  	s0 =	rddreg [dreg:$0x4]  }
0x141: {  	s0 =	sadd.s32 @!p1 $0x100000, s0  }
0x142: {  	[sflag:s0] =	ssyncadd.tile.s32 @!p1 $0x1;
	_ =	shalt  }
.Lfunc_end2:
_tile_overlayer_lowered:
.L_overlay_start_2:
0x143: {  	(tag) =	ssettag $0x2  }
0x144: {  	s0 =	rddreg [dreg:$0x0];
	s2 =	stileid.u32  }
0x145: {  	s1 =	rddreg [dreg:$0x1];
	p0 =	sne.s32 s2, $0x0  }
0x146: {  	s3 =	rddreg [dreg:$0x2];
	[bflag:$0x3] =	sbarrier.arrive $0xFFFF;
	s2 =	simm.s32 @!p0 $0x1C0A  }
0x147: {  	[timem:s3], [sflag:s2] =	dma.local @!p0 [hbm:s0], s1  }
0x148: {  	s0 =	simm.s32 @!p0 $0xA  }
0x149: {  	_ =	swait.ge @!p0 [sflag:s0], s1  }
0x14a: {  	s1 =	ssub.s32 @!p0 $0x0, s1;
	[sflag:s0] =	ssyncset.done @!p0 $0x0  }
0x14b: {  	[sflag:s0] =	ssyncadd.s32 @!p0 s1  }
0x14c: {  	[bflag:$0x3] =	sbarrier.arrive $0xFFFF  }
0x14d: {  	_ =	shalt  }

</sc_bundles>
